<compile_context>
chip_gen: v7x
topology: tpu7x:2x2x1
jax: 0.10.2.dev20260603
libtpu: 0.0.44.dev20260713+nightly
codegen_flags: <defaults>
</compile_context>

<pallas_src>
import functools

import jax
import jax.numpy as jnp
from jax import lax
from jax.experimental import pallas as pl
from jax.experimental.pallas import tpu as pltpu
from jax.experimental.pallas import tpu_sc as plsc

_S = 64
_RAD = 0.05
_K = 8
_P = 2000
_ROWS = 4
_PIX = _ROWS * _S
_GRP = _P // 16
_INV32 = 0.03125
_EPS = 1e-3


def _sc_rasterize(verts):
    mesh = plsc.VectorSubcoreMesh(
        core_axis_name="c", subcore_axis_name="s", num_cores=2,
        num_subcores=16)

    @functools.partial(
        pl.kernel,
        mesh=mesh,
        compiler_params=pltpu.CompilerParams(needs_layout_passes=False),
        out_type=(
            jax.ShapeDtypeStruct((2, _S, _S, _K), jnp.int32),
            jax.ShapeDtypeStruct((2, _S, _S, _K), jnp.float32),
            jax.ShapeDtypeStruct((2, _S, _S, _K), jnp.float32),
        ),
        scratch_types=[
            pltpu.VMEM((3 * _P,), jnp.float32),
            pltpu.SemaphoreType.DMA,
            pltpu.SemaphoreType.DMA,
            pltpu.SemaphoreType.DMA,
            pltpu.SemaphoreType.DMA,
            pltpu.VMEM((16,), jnp.float32),
            pltpu.VMEM((16,), jnp.float32),
            pltpu.VMEM((16,), jnp.float32),
            pltpu.VMEM((16,), jnp.int32),
            pltpu.VMEM((_PIX * _K,), jnp.float32),
            pltpu.VMEM((_PIX * _K,), jnp.int32),
            pltpu.VMEM((_PIX * _K,), jnp.float32),
            pltpu.VMEM((_ROWS, _S, _K), jnp.float32),
            pltpu.VMEM((_ROWS, _S, _K), jnp.int32),
            pltpu.VMEM((_ROWS, _S, _K), jnp.float32),
        ],
    )
    def k(verts_hbm, oi_hbm, oz_hbm, od_hbm,
          pv, dsem, osem1, osem2, osem3, cx, cy, cz, ci, z8, i8, d8,
          zs3, is3, ds3):
        c = lax.axis_index("c")
        s = lax.axis_index("s")
        b = s & 1
        band = (s >> 1) + c * 8
        row0 = band * _ROWS

        pbase = b * (3 * _P)
        in_dma = pltpu.async_copy(verts_hbm.at[pl.ds(pbase, 3 * _P)], pv, dsem)

        lane = lax.iota(jnp.int32, 16)
        lm4 = lane & 3
        ld4 = lane >> 2
        rows_f = lax.convert_element_type(row0 + ld4, jnp.float32)
        pyv = 1.0 - (rows_f + 0.5) * _INV32
        row0_f = rows_f - lax.convert_element_type(ld4, jnp.float32)
        ymin = 1.0 - (row0_f + 3.5) * _INV32 - (_RAD + _EPS)
        ymax = 1.0 - (row0_f + 0.5) * _INV32 + (_RAD + _EPS)
        xlo = jnp.full((16,), -0.984375 - (_RAD + _EPS), jnp.float32)
        xhi = jnp.full((16,), 0.984375 + (_RAD + _EPS), jnp.float32)
        inf_v = jnp.full((16,), jnp.inf, jnp.float32)

        def init_body(i, carry):
            z8[pl.ds(i * 16, 16)] = inf_v
            return carry
        lax.fori_loop(0, _PIX * _K // 16, init_body, 0)
        in_dma.wait()

        r2v = jnp.full((16,), _RAD * _RAD, jnp.float32)

        def cand_body(i, carry):
            ib = lax.broadcast_in_dim(i, (16,), ())
            xs = plsc.load_gather(cx.at[...], [ib])
            ys = plsc.load_gather(cy.at[...], [ib])
            zs = plsc.load_gather(cz.at[...], [ib])
            iv = plsc.load_gather(ci.at[...], [ib])
            u = (1.0 - xs - _RAD) * 32.0 - 0.5 - _EPS
            ti = lax.convert_element_type(u, jnp.int32)
            ti = ti - jnp.where(lax.convert_element_type(ti, jnp.float32) > u,
                                jnp.int32(1), jnp.int32(0))
            cols = ti + 1 + lm4
            colf = lax.convert_element_type(cols, jnp.float32)
            pxv = 1.0 - (colf + 0.5) * _INV32
            dx = pxv - xs
            dy = pyv - ys
            d2 = dx * dx + dy * dy
            valid = (d2 < r2v) & (cols >= 0) & (cols < _S)
            nv = plsc.all_reduce_population_count(valid)[0]

            @pl.when(nv > 0)
            def _insert():
                addr = jnp.where(valid, (ld4 * _S + cols) * _K, jnp.int32(0))
                candz = zs
                candi = iv
                candd = d2
                for j in range(_K):
                    a = addr + j
                    curz = plsc.load_gather(z8.at[...], [a])
                    curi = plsc.load_gather(i8.at[...], [a])
                    curd = plsc.load_gather(d8.at[...], [a])
                    swap = candz < curz
                    newz = jnp.where(swap, candz, curz)
                    candz = jnp.where(swap, curz, candz)
                    newi = jnp.where(swap, candi, curi)
                    candi = jnp.where(swap, curi, candi)
                    newd = jnp.where(swap, candd, curd)
                    candd = jnp.where(swap, curd, candd)
                    plsc.store_scatter(z8.at[...], [a], newz, mask=valid)
                    plsc.store_scatter(i8.at[...], [a], newi, mask=valid)
                    plsc.store_scatter(d8.at[...], [a], newd, mask=valid)
                candz, candi, candd = None, None, None
            return carry

        def g_body(g, carry):
            off = g * 16
            vx = pv[pl.ds(off, 16)]
            vy = pv[pl.ds(_P + off, 16)]
            vz = pv[pl.ds(2 * _P + off, 16)]
            zsafe = jnp.where(jnp.abs(vz) < 1e-4, jnp.float32(1e-4), vz)
            m = ((vz > 0.0)
                 & (vy > ymin * zsafe) & (vy < ymax * zsafe)
                 & (vx > xlo * zsafe) & (vx < xhi * zsafe))
            n = plsc.all_reduce_population_count(m)[0]

            @pl.when(n > 0)
            def _emit():
                xn = vx / zsafe
                yn = vy / zsafe
                plsc.store_compressed(cx.at[...], xn, mask=m)
                plsc.store_compressed(cy.at[...], yn, mask=m)
                plsc.store_compressed(cz.at[...], vz, mask=m)
                plsc.store_compressed(ci.at[...], off + lane, mask=m)
                lax.fori_loop(0, n, cand_body, 0)
            return carry

        lax.fori_loop(0, _GRP, g_body, 0)

        kk_s = lane & (_K - 1)

        def fin_body(i, carry):
            sl = pl.ds(i * 16, 16)
            zv = z8[sl]
            empty = zv >= 3e38
            flat = i * 16 + lane
            pix = flat >> 3
            idxs = [pix >> 6, pix & (_S - 1), kk_s]
            plsc.store_scatter(zs3.at[...], idxs,
                               jnp.where(empty, jnp.float32(-1.0), zv))
            plsc.store_scatter(is3.at[...], idxs,
                               jnp.where(empty, jnp.int32(-1), i8[sl]))
            plsc.store_scatter(ds3.at[...], idxs,
                               jnp.where(empty, jnp.float32(-1.0), d8[sl]))
            return carry
        lax.fori_loop(0, _PIX * _K // 16, fin_body, 0)

        o1 = pltpu.async_copy(is3, oi_hbm.at[b, pl.ds(row0, _ROWS)], osem1)
        o2 = pltpu.async_copy(zs3, oz_hbm.at[b, pl.ds(row0, _ROWS)], osem2)
        o3 = pltpu.async_copy(ds3, od_hbm.at[b, pl.ds(row0, _ROWS)], osem3)
        o1.wait()
        o2.wait()
        o3.wait()

    return k(verts)


def kernel(points, R, T):
    verts_view = jnp.einsum('bpi,bij->bpj', points, R) + T[:, None, :]
    verts = jnp.transpose(verts_view, (0, 2, 1)).reshape(-1)
    return _sc_rasterize(verts)

# --- scband reference (transcript-rebuilt; emitter-appended) ---
"""Pipeline reference for scband-points-rasterizer-51488067944949 (READ-ONLY COPY).

The authoritative reference and input builder live on the scoring server;
editing this copy changes nothing except your own understanding.
"""

import jax, jax.numpy as jnp
import numpy as np

IMAGE_SIZE = 64
RADIUS = 0.05
K = 8

def setup_inputs(seed: int = 0) -> dict:
    key = jax.random.key(seed)
    k1, k2, k3 = jax.random.split(key, 3)
    points = jax.random.normal(k1, (2, 2000, 3), dtype=jnp.float32)
    R = jax.random.normal(k2, (2, 3, 3), dtype=jnp.float32)
    T = jax.random.normal(k3, (2, 3), dtype=jnp.float32)
    return {"points": points, "R": R, "T": T}


def _transform(points, R, T):
    # world-to-view (pytorch3d row-vector convention): X_view = X_world @ R + T
    verts_view = jnp.einsum('bpi,bij->bpj', points, R) + T[:, None, :]
    z = verts_view[..., 2]
    z_safe = jnp.where(jnp.abs(z) < 1e-4, 1e-4, z)
    # perspective projection to NDC (focal = 1), keep view-space z as depth
    x_ndc = verts_view[..., 0] / z_safe
    y_ndc = verts_view[..., 1] / z_safe
    return jnp.stack([x_ndc, y_ndc, z], axis=-1)


def _rasterize(pts_screen, image_size, radius, points_per_pixel):
    S = image_size
    # pytorch3d NDC pixel-center convention: ndc = 1 - 2*(i+0.5)/S
    pix = 1.0 - 2.0 * (jnp.arange(S, dtype=jnp.float32) + 0.5) / S
    py, px = jnp.meshgrid(pix, pix, indexing='ij')
    pxy = jnp.stack([px, py], axis=-1).reshape(-1, 2)  # [S*S, 2]
    r2 = radius * radius

    def per_cloud(pts):
        xy = pts[:, :2]  # [P, 2]
        z = pts[:, 2]    # [P]
        d2 = jnp.sum((pxy[:, None, :] - xy[None, :, :]) ** 2, axis=-1)  # [S*S, P]
        valid = (d2 < r2) & (z[None, :] > 0.0)
        zmask = jnp.where(valid, jnp.broadcast_to(z[None, :], d2.shape), jnp.inf)
        neg_z, idx = jax.lax.top_k(-zmask, points_per_pixel)  # K nearest in depth
        zbuf = -neg_z
        dists = jnp.take_along_axis(d2, idx, axis=1)
        empty = jnp.isinf(zbuf)
        idx_out = jnp.where(empty, -1, idx)
        zbuf_out = jnp.where(empty, -1.0, zbuf)
        dists_out = jnp.where(empty, -1.0, dists)
        Kp = points_per_pixel
        return (idx_out.reshape(S, S, Kp),
                zbuf_out.reshape(S, S, Kp),
                dists_out.reshape(S, S, Kp))

    return jax.vmap(per_cloud)(pts_screen)


def reference(points, R, T):
    pts_screen = _transform(points, R, T)
    idx, zbuf, dists = _rasterize(pts_screen, IMAGE_SIZE, RADIUS, K)
    # PointFragments(idx, zbuf, dists)
    return idx, zbuf, dists

if __name__ == "__main__":
    import jax
    _d = setup_inputs()
    print(jax.jit(kernel)(*tuple(_d.values())))

</pallas_src>

<mosaic_0001>
#map = affine_map<(d0, d1) -> (0)>
#map1 = affine_map<(d0, d1) -> (0, 0, 0, 0)>
module attributes {stable_mosaic.version = 14 : i64} {
  func.func @k(%arg0: i32, %arg1: i32, %arg2: memref<12000xf32, #tpu.memory_space<hbm>>, %arg3: memref<2x64x64x8xi32, #tpu.memory_space<hbm>>, %arg4: memref<2x64x64x8xf32, #tpu.memory_space<hbm>>, %arg5: memref<2x64x64x8xf32, #tpu.memory_space<hbm>>, %arg6: memref<6000xf32, #tpu.memory_space<vmem>>, %arg7: memref<!tpu.dma_semaphore, #tpu.memory_space<semaphore_mem>>, %arg8: memref<!tpu.dma_semaphore, #tpu.memory_space<semaphore_mem>>, %arg9: memref<!tpu.dma_semaphore, #tpu.memory_space<semaphore_mem>>, %arg10: memref<!tpu.dma_semaphore, #tpu.memory_space<semaphore_mem>>, %arg11: memref<16xf32, #tpu.memory_space<vmem>>, %arg12: memref<16xf32, #tpu.memory_space<vmem>>, %arg13: memref<16xf32, #tpu.memory_space<vmem>>, %arg14: memref<16xi32, #tpu.memory_space<vmem>>, %arg15: memref<2048xf32, #tpu.memory_space<vmem>>, %arg16: memref<2048xi32, #tpu.memory_space<vmem>>, %arg17: memref<2048xf32, #tpu.memory_space<vmem>>, %arg18: memref<4x64x8xf32, #tpu.memory_space<vmem>>, %arg19: memref<4x64x8xi32, #tpu.memory_space<vmem>>, %arg20: memref<4x64x8xf32, #tpu.memory_space<vmem>>) attributes {dimension_semantics = [#tpu.dimension_semantics<core_parallel>, #tpu.dimension_semantics<subcore_parallel>], iteration_bounds = array<i64: 2, 16>, scalar_prefetch = 0 : i64, scratch_operands = 15 : i64, tpu.core_type = #tpu.core_type<sc_vector_subcore>, window_params = [{transform_indices = #map}, {transform_indices = #map1}, {transform_indices = #map1}, {transform_indices = #map1}]} {
    %and3A = arith.constant 1 : i32
    %and3A_0 = arith.andi %arg1, %and3A : i32
    %shift_right_arithmetic3A = arith.constant 1 : i32
    %shift_right_arithmetic3A_1 = arith.shrsi %arg1, %shift_right_arithmetic3A : i32
    %mul3A = arith.constant 8 : i32
    %mul3A_2 = arith.muli %arg0, %mul3A : i32
    %add3A = arith.addi %shift_right_arithmetic3A_1, %mul3A_2 : i32
    %mul3A_3 = arith.constant 4 : i32
    %mul3A_4 = arith.muli %add3A, %mul3A_3 : i32
    %mul3A_5 = arith.constant 6000 : i32
    %mul3A_6 = arith.muli %and3A_0, %mul3A_5 : i32
    %dma_start3A = tpu.memref_slice %arg2[%mul3A_6] : memref<12000xf32, #tpu.memory_space<hbm>> -> memref<6000xf32, #tpu.memory_space<hbm>>
    %dma_start3A_7 = tpu.memref_slice %arg2[%mul3A_6] : memref<12000xf32, #tpu.memory_space<hbm>> -> memref<6000xf32, #tpu.memory_space<hbm>>
    tpu.enqueue_dma source(%dma_start3A_7 : memref<6000xf32, #tpu.memory_space<hbm>>) target(%arg6 : memref<6000xf32, #tpu.memory_space<vmem>>) target_semaphore(%arg7 : memref<!tpu.dma_semaphore, #tpu.memory_space<semaphore_mem>>)
    %iota3A = tpu.iota {dimensions = array<i32: 0>} : vector<16xi32>
    %and3A_8 = arith.constant 3 : i32
    %and3A_9 = vector.broadcast %and3A_8 : i32 to vector<16xi32>
    %and3A_10 = arith.andi %iota3A, %and3A_9 : vector<16xi32>
    %shift_right_arithmetic3A_11 = arith.constant 2 : i32
    %shift_right_arithmetic3A_12 = vector.broadcast %shift_right_arithmetic3A_11 : i32 to vector<16xi32>
    %shift_right_arithmetic3A_13 = arith.shrsi %iota3A, %shift_right_arithmetic3A_12 : vector<16xi32>
    %add3A_14 = vector.broadcast %mul3A_4 : i32 to vector<16xi32>
    %add3A_15 = arith.addi %add3A_14, %shift_right_arithmetic3A_13 : vector<16xi32>
    %convert_element_type3A = arith.sitofp %add3A_15 : vector<16xi32> to vector<16xf32>
    %add3A_16 = arith.constant 5.000000e-01 : f32
    %add3A_17 = vector.broadcast %add3A_16 : f32 to vector<16xf32>
    %add3A_18 = arith.addf %convert_element_type3A, %add3A_17 : vector<16xf32>
    %mul3A_19 = arith.constant 3.125000e-02 : f32
    %mul3A_20 = vector.broadcast %mul3A_19 : f32 to vector<16xf32>
    %mul3A_21 = arith.mulf %add3A_18, %mul3A_20 : vector<16xf32>
    %sub3A = arith.constant 1.000000e+00 : f32
    %sub3A_22 = vector.broadcast %sub3A : f32 to vector<16xf32>
    %sub3A_23 = arith.subf %sub3A_22, %mul3A_21 : vector<16xf32>
    %convert_element_type3A_24 = arith.sitofp %shift_right_arithmetic3A_13 : vector<16xi32> to vector<16xf32>
    %sub3A_25 = arith.subf %convert_element_type3A, %convert_element_type3A_24 : vector<16xf32>
    %add3A_26 = arith.constant 3.500000e+00 : f32
    %add3A_27 = vector.broadcast %add3A_26 : f32 to vector<16xf32>
    %add3A_28 = arith.addf %sub3A_25, %add3A_27 : vector<16xf32>
    %mul3A_29 = arith.constant 3.125000e-02 : f32
    %mul3A_30 = vector.broadcast %mul3A_29 : f32 to vector<16xf32>
    %mul3A_31 = arith.mulf %add3A_28, %mul3A_30 : vector<16xf32>
    %sub3A_32 = arith.constant 1.000000e+00 : f32
    %sub3A_33 = vector.broadcast %sub3A_32 : f32 to vector<16xf32>
    %sub3A_34 = arith.subf %sub3A_33, %mul3A_31 : vector<16xf32>
    %sub3A_35 = arith.constant 5.100000e-02 : f32
    %sub3A_36 = vector.broadcast %sub3A_35 : f32 to vector<16xf32>
    %sub3A_37 = arith.subf %sub3A_34, %sub3A_36 : vector<16xf32>
    %add3A_38 = arith.constant 5.000000e-01 : f32
    %add3A_39 = vector.broadcast %add3A_38 : f32 to vector<16xf32>
    %add3A_40 = arith.addf %sub3A_25, %add3A_39 : vector<16xf32>
    %mul3A_41 = arith.constant 3.125000e-02 : f32
    %mul3A_42 = vector.broadcast %mul3A_41 : f32 to vector<16xf32>
    %mul3A_43 = arith.mulf %add3A_40, %mul3A_42 : vector<16xf32>
    %sub3A_44 = arith.constant 1.000000e+00 : f32
    %sub3A_45 = vector.broadcast %sub3A_44 : f32 to vector<16xf32>
    %sub3A_46 = arith.subf %sub3A_45, %mul3A_43 : vector<16xf32>
    %add3A_47 = arith.constant 5.100000e-02 : f32
    %add3A_48 = vector.broadcast %add3A_47 : f32 to vector<16xf32>
    %add3A_49 = arith.addf %sub3A_46, %add3A_48 : vector<16xf32>
    %broadcast_in_dim3A = arith.constant -1.035375 : f32
    %broadcast_in_dim3A_50 = vector.broadcast %broadcast_in_dim3A : f32 to vector<16xf32>
    %broadcast_in_dim3A_51 = arith.constant 1.035375 : f32
    %broadcast_in_dim3A_52 = vector.broadcast %broadcast_in_dim3A_51 : f32 to vector<16xf32>
    %broadcast_in_dim3A_53 = arith.constant 0x7F800000 : f32
    %broadcast_in_dim3A_54 = vector.broadcast %broadcast_in_dim3A_53 : f32 to vector<16xf32>
    %scan3A = arith.constant 0 : i32
    %scan3A_55 = arith.constant 0 : i32
    %scan3A_56 = arith.constant 128 : i32
    %scan3A_57 = arith.addi %scan3A_55, %scan3A_56 : i32
    %scan3A_58 = arith.constant 1 : i32
    scf.for %scan3A_126 = %scan3A_55 to %scan3A_57 step %scan3A_58  : i32 {
      %mul3A_127 = arith.constant 16 : i32
      %mul3A_128 = arith.muli %scan3A_126, %mul3A_127 : i32
      %swap3A = arith.index_cast %mul3A_128 : i32 to index
      %swap3A_129 = tpu.vector_load %arg15[%swap3A] {strides = array<i32>} : memref<2048xf32, #tpu.memory_space<vmem>>, vector<16xf32>,
      tpu.vector_store %arg15[%swap3A], %broadcast_in_dim3A_54 {strides = array<i32>} : memref<2048xf32, #tpu.memory_space<vmem>>, vector<16xf32>,
    }
    %scan3A_59 = arith.constant 128 : i32
    %dma_wait3A = tpu.memref_slice %arg2[%mul3A_6] : memref<12000xf32, #tpu.memory_space<hbm>> -> memref<6000xf32, #tpu.memory_space<hbm>>
    %dma_wait3A_60 = tpu.memref_slice %arg2[%mul3A_6] : memref<12000xf32, #tpu.memory_space<hbm>> -> memref<6000xf32, #tpu.memory_space<hbm>>
    tpu.wait_dma2 semaphore(%arg7 : memref<!tpu.dma_semaphore, #tpu.memory_space<semaphore_mem>>) src(%dma_wait3A_60 : memref<6000xf32, #tpu.memory_space<hbm>>) dst(%arg6 : memref<6000xf32, #tpu.memory_space<vmem>>)
    %broadcast_in_dim3A_61 = arith.constant 2.500000e-03 : f32
    %broadcast_in_dim3A_62 = vector.broadcast %broadcast_in_dim3A_61 : f32 to vector<16xf32>
    %scan3A_63 = arith.constant 0 : i32
    %scan3A_64 = arith.constant 0 : i32
    %scan3A_65 = arith.constant 125 : i32
    %scan3A_66 = arith.addi %scan3A_64, %scan3A_65 : i32
    %scan3A_67 = arith.constant 1 : i32
    scf.for %scan3A_126 = %scan3A_64 to %scan3A_66 step %scan3A_67  : i32 {
      %mul3A_127 = arith.constant 16 : i32
      %mul3A_128 = arith.muli %scan3A_126, %mul3A_127 : i32
      %get3A = arith.index_cast %mul3A_128 : i32 to index
      %get3A_129 = tpu.vector_load %arg6[%get3A] {strides = array<i32>} : memref<6000xf32, #tpu.memory_space<vmem>>, vector<16xf32>,
      %add3A_130 = arith.constant 2000 : i32
      %add3A_131 = arith.addi %add3A_130, %mul3A_128 : i32
      %get3A_132 = arith.index_cast %add3A_131 : i32 to index
      %get3A_133 = tpu.vector_load %arg6[%get3A_132] {strides = array<i32>} : memref<6000xf32, #tpu.memory_space<vmem>>, vector<16xf32>,
      %add3A_134 = arith.constant 4000 : i32
      %add3A_135 = arith.addi %add3A_134, %mul3A_128 : i32
      %get3A_136 = arith.index_cast %add3A_135 : i32 to index
      %get3A_137 = tpu.vector_load %arg6[%get3A_136] {strides = array<i32>} : memref<6000xf32, #tpu.memory_space<vmem>>, vector<16xf32>,
      %abs3A = math.absf %get3A_137 : vector<16xf32>
      %lt3A = arith.constant 9.99999974E-5 : f32
      %lt3A_138 = vector.broadcast %lt3A : f32 to vector<16xf32>
      %lt3A_139 = arith.cmpf olt, %abs3A, %lt3A_138 : vector<16xf32>
      %jit3A = arith.constant 9.99999974E-5 : f32
      %broadcast_in_dim3A_140 = vector.broadcast %jit3A : f32 to vector<16xf32>
      %select_n3A = arith.select %lt3A_139, %broadcast_in_dim3A_140, %get3A_137 : vector<16xi1>, vector<16xf32>
      %gt3A = arith.constant 0.000000e+00 : f32
      %gt3A_141 = vector.broadcast %gt3A : f32 to vector<16xf32>
      %gt3A_142 = arith.cmpf ogt, %get3A_137, %gt3A_141 : vector<16xf32>
      %mul3A_143 = arith.mulf %sub3A_37, %select_n3A : vector<16xf32>
      %gt3A_144 = arith.cmpf ogt, %get3A_133, %mul3A_143 : vector<16xf32>
      %and3A_145 = arith.andi %gt3A_142, %gt3A_144 : vector<16xi1>
      %mul3A_146 = arith.mulf %add3A_49, %select_n3A : vector<16xf32>
      %lt3A_147 = arith.cmpf olt, %get3A_133, %mul3A_146 : vector<16xf32>
      %and3A_148 = arith.andi %and3A_145, %lt3A_147 : vector<16xi1>
      %mul3A_149 = arith.mulf %broadcast_in_dim3A_50, %select_n3A : vector<16xf32>
      %gt3A_150 = arith.cmpf ogt, %get3A_129, %mul3A_149 : vector<16xf32>
      %and3A_151 = arith.andi %and3A_148, %gt3A_150 : vector<16xi1>
      %mul3A_152 = arith.mulf %broadcast_in_dim3A_52, %select_n3A : vector<16xf32>
      %lt3A_153 = arith.cmpf olt, %get3A_129, %mul3A_152 : vector<16xf32>
      %and3A_154 = arith.andi %and3A_151, %lt3A_153 : vector<16xi1>
      %all_reduce_population_count3A = tpu.all_reduce %and3A_154 {dim = 0 : i64, kind = #tpu.reduction_kind<sum>} : vector<16xi1> -> vector<16xi32>
      %slice3A = vector.extract_strided_slice %all_reduce_population_count3A {offsets = [0], sizes = [1], strides = [1]} : vector<16xi32> to vector<1xi32>
      %squeeze3A = vector.extract %slice3A[0] : i32 from vector<1xi32>
      %gt3A_155 = arith.constant 0 : i32
      %gt3A_156 = arith.cmpi sgt, %squeeze3A, %gt3A_155 : i32
      %convert_element_type3A_157 = arith.extui %gt3A_156 : i1 to i32
      %cond3A = arith.constant 0 : i32
      %cond3A_158 = arith.cmpi ne, %convert_element_type3A_157, %cond3A : i32
      scf.if %cond3A_158 {
        %div3A = arith.divf %get3A_129, %select_n3A : vector<16xf32>
        %div3A_159 = arith.divf %get3A_133, %select_n3A : vector<16xf32>
        %swap3A = arith.constant 0 : index
        %swap3A_160 = tpu.vector_load %arg11[%swap3A] masked %and3A_154 {strides = array<i32>} : memref<16xf32, #tpu.memory_space<vmem>>, vector<16xf32>, vector<16xi1>
        tpu.vector_store %arg11[%swap3A], %div3A masked %and3A_154 {strides = array<i32>} : memref<16xf32, #tpu.memory_space<vmem>>, vector<16xf32>, vector<16xi1>
        %swap3A_161 = arith.constant 0 : index
        %swap3A_162 = tpu.vector_load %arg12[%swap3A_161] masked %and3A_154 {strides = array<i32>} : memref<16xf32, #tpu.memory_space<vmem>>, vector<16xf32>, vector<16xi1>
        tpu.vector_store %arg12[%swap3A_161], %div3A_159 masked %and3A_154 {strides = array<i32>} : memref<16xf32, #tpu.memory_space<vmem>>, vector<16xf32>, vector<16xi1>
        %swap3A_163 = arith.constant 0 : index
        %swap3A_164 = tpu.vector_load %arg13[%swap3A_163] masked %and3A_154 {strides = array<i32>} : memref<16xf32, #tpu.memory_space<vmem>>, vector<16xf32>, vector<16xi1>
        tpu.vector_store %arg13[%swap3A_163], %get3A_137 masked %and3A_154 {strides = array<i32>} : memref<16xf32, #tpu.memory_space<vmem>>, vector<16xf32>, vector<16xi1>
        %add3A_165 = vector.broadcast %mul3A_128 : i32 to vector<16xi32>
        %add3A_166 = arith.addi %add3A_165, %iota3A : vector<16xi32>
        %swap3A_167 = arith.constant 0 : index
        %swap3A_168 = tpu.vector_load %arg14[%swap3A_167] masked %and3A_154 {strides = array<i32>} : memref<16xi32, #tpu.memory_space<vmem>>, vector<16xi32>, vector<16xi1>
        tpu.vector_store %arg14[%swap3A_167], %add3A_166 masked %and3A_154 {strides = array<i32>} : memref<16xi32, #tpu.memory_space<vmem>>, vector<16xi32>, vector<16xi1>
        %while3A = arith.constant 0 : i32
        %while3A_169 = arith.constant 0 : i32
        %while3A_170 = arith.subi %squeeze3A, %while3A_169 : i32
        %while3A_171 = arith.addi %while3A_169, %while3A_170 : i32
        %while3A_172 = arith.constant 1 : i32
        %while3A_173 = arith.divsi %while3A_170, %while3A_172 : i32
        %while3A_174 = arith.muli %while3A_173, %while3A_172 : i32
        %while3A_175 = arith.addi %while3A_169, %while3A_174 : i32
        %while3A_176 = arith.constant 1 : i32
        scf.for %while3A_178 = %while3A_169 to %while3A_175 step %while3A_176  : i32 {
          %broadcast_in_dim3A_179 = vector.broadcast %while3A_178 : i32 to vector<16xi32>
          %gather3A = arith.constant 0 : i32
          %gather3A_180 = tpu.memref_slice %arg11[%gather3A] : memref<16xf32, #tpu.memory_space<vmem>> -> memref<16xf32, #tpu.memory_space<vmem>>
          %gather3A_181 = tpu.vector_load_idx %gather3A_180[%broadcast_in_dim3A_179] : memref<16xf32, #tpu.memory_space<vmem>>[vector<16xi32>], vector<16xf32>,
          %gather3A_182 = arith.constant 0 : i32
          %gather3A_183 = tpu.memref_slice %arg12[%gather3A_182] : memref<16xf32, #tpu.memory_space<vmem>> -> memref<16xf32, #tpu.memory_space<vmem>>
          %gather3A_184 = tpu.vector_load_idx %gather3A_183[%broadcast_in_dim3A_179] : memref<16xf32, #tpu.memory_space<vmem>>[vector<16xi32>], vector<16xf32>,
          %gather3A_185 = arith.constant 0 : i32
          %gather3A_186 = tpu.memref_slice %arg13[%gather3A_185] : memref<16xf32, #tpu.memory_space<vmem>> -> memref<16xf32, #tpu.memory_space<vmem>>
          %gather3A_187 = tpu.vector_load_idx %gather3A_186[%broadcast_in_dim3A_179] : memref<16xf32, #tpu.memory_space<vmem>>[vector<16xi32>], vector<16xf32>,
          %gather3A_188 = arith.constant 0 : i32
          %gather3A_189 = tpu.memref_slice %arg14[%gather3A_188] : memref<16xi32, #tpu.memory_space<vmem>> -> memref<16xi32, #tpu.memory_space<vmem>>
          %gather3A_190 = tpu.vector_load_idx %gather3A_189[%broadcast_in_dim3A_179] : memref<16xi32, #tpu.memory_space<vmem>>[vector<16xi32>], vector<16xi32>,
          %sub3A_191 = arith.constant 1.000000e+00 : f32
          %sub3A_192 = vector.broadcast %sub3A_191 : f32 to vector<16xf32>
          %sub3A_193 = arith.subf %sub3A_192, %gather3A_181 : vector<16xf32>
          %sub3A_194 = arith.constant 5.000000e-02 : f32
          %sub3A_195 = vector.broadcast %sub3A_194 : f32 to vector<16xf32>
          %sub3A_196 = arith.subf %sub3A_193, %sub3A_195 : vector<16xf32>
          %mul3A_197 = arith.constant 3.200000e+01 : f32
          %mul3A_198 = vector.broadcast %mul3A_197 : f32 to vector<16xf32>
          %mul3A_199 = arith.mulf %sub3A_196, %mul3A_198 : vector<16xf32>
          %sub3A_200 = arith.constant 5.000000e-01 : f32
          %sub3A_201 = vector.broadcast %sub3A_200 : f32 to vector<16xf32>
          %sub3A_202 = arith.subf %mul3A_199, %sub3A_201 : vector<16xf32>
          %sub3A_203 = arith.constant 1.000000e-03 : f32
          %sub3A_204 = vector.broadcast %sub3A_203 : f32 to vector<16xf32>
          %sub3A_205 = arith.subf %sub3A_202, %sub3A_204 : vector<16xf32>
          %convert_element_type3A_206 = arith.fptosi %sub3A_205 : vector<16xf32> to vector<16xi32>
          %convert_element_type3A_207 = arith.sitofp %convert_element_type3A_206 : vector<16xi32> to vector<16xf32>
          %gt3A_208 = arith.cmpf ogt, %convert_element_type3A_207, %sub3A_205 : vector<16xf32>
          %jit3A_209 = arith.constant 1 : i32
          %jit3A_210 = arith.constant 0 : i32
          %broadcast_in_dim3A_211 = vector.broadcast %jit3A_209 : i32 to vector<16xi32>
          %broadcast_in_dim3A_212 = vector.broadcast %jit3A_210 : i32 to vector<16xi32>
          %select_n3A_213 = arith.select %gt3A_208, %broadcast_in_dim3A_211, %broadcast_in_dim3A_212 : vector<16xi1>, vector<16xi32>
          %sub3A_214 = arith.subi %convert_element_type3A_206, %select_n3A_213 : vector<16xi32>
          %add3A_215 = arith.constant 1 : i32
          %add3A_216 = vector.broadcast %add3A_215 : i32 to vector<16xi32>
          %add3A_217 = arith.addi %sub3A_214, %add3A_216 : vector<16xi32>
          %add3A_218 = arith.addi %add3A_217, %and3A_10 : vector<16xi32>
          %convert_element_type3A_219 = arith.sitofp %add3A_218 : vector<16xi32> to vector<16xf32>
          %add3A_220 = arith.constant 5.000000e-01 : f32
          %add3A_221 = vector.broadcast %add3A_220 : f32 to vector<16xf32>
          %add3A_222 = arith.addf %convert_element_type3A_219, %add3A_221 : vector<16xf32>
          %mul3A_223 = arith.constant 3.125000e-02 : f32
          %mul3A_224 = vector.broadcast %mul3A_223 : f32 to vector<16xf32>
          %mul3A_225 = arith.mulf %add3A_222, %mul3A_224 : vector<16xf32>
          %sub3A_226 = arith.constant 1.000000e+00 : f32
          %sub3A_227 = vector.broadcast %sub3A_226 : f32 to vector<16xf32>
          %sub3A_228 = arith.subf %sub3A_227, %mul3A_225 : vector<16xf32>
          %sub3A_229 = arith.subf %sub3A_228, %gather3A_181 : vector<16xf32>
          %sub3A_230 = arith.subf %sub3A_23, %gather3A_184 : vector<16xf32>
          %mul3A_231 = arith.mulf %sub3A_229, %sub3A_229 : vector<16xf32>
          %mul3A_232 = arith.mulf %sub3A_230, %sub3A_230 : vector<16xf32>
          %add3A_233 = arith.addf %mul3A_231, %mul3A_232 : vector<16xf32>
          %lt3A_234 = arith.cmpf olt, %add3A_233, %broadcast_in_dim3A_62 : vector<16xf32>
          %ge3A = arith.constant 0 : i32
          %ge3A_235 = vector.broadcast %ge3A : i32 to vector<16xi32>
          %ge3A_236 = arith.cmpi sge, %add3A_218, %ge3A_235 : vector<16xi32>
          %and3A_237 = arith.andi %lt3A_234, %ge3A_236 : vector<16xi1>
          %lt3A_238 = arith.constant 64 : i32
          %lt3A_239 = vector.broadcast %lt3A_238 : i32 to vector<16xi32>
          %lt3A_240 = arith.cmpi slt, %add3A_218, %lt3A_239 : vector<16xi32>
          %and3A_241 = arith.andi %and3A_237, %lt3A_240 : vector<16xi1>
          %all_reduce_population_count3A_242 = tpu.all_reduce %and3A_241 {dim = 0 : i64, kind = #tpu.reduction_kind<sum>} : vector<16xi1> -> vector<16xi32>
          %slice3A_243 = vector.extract_strided_slice %all_reduce_population_count3A_242 {offsets = [0], sizes = [1], strides = [1]} : vector<16xi32> to vector<1xi32>
          %squeeze3A_244 = vector.extract %slice3A_243[0] : i32 from vector<1xi32>
          %gt3A_245 = arith.constant 0 : i32
          %gt3A_246 = arith.cmpi sgt, %squeeze3A_244, %gt3A_245 : i32
          %convert_element_type3A_247 = arith.extui %gt3A_246 : i1 to i32
          %cond3A_248 = arith.constant 0 : i32
          %cond3A_249 = arith.cmpi ne, %convert_element_type3A_247, %cond3A_248 : i32
          scf.if %cond3A_249 {
            %mul3A_250 = arith.constant 64 : i32
            %mul3A_251 = vector.broadcast %mul3A_250 : i32 to vector<16xi32>
            %mul3A_252 = arith.muli %shift_right_arithmetic3A_13, %mul3A_251 : vector<16xi32>
            %add3A_253 = arith.addi %mul3A_252, %add3A_218 : vector<16xi32>
            %mul3A_254 = arith.constant 8 : i32
            %mul3A_255 = vector.broadcast %mul3A_254 : i32 to vector<16xi32>
            %mul3A_256 = arith.muli %add3A_253, %mul3A_255 : vector<16xi32>
            %jit3A_257 = arith.constant 0 : i32
            %broadcast_in_dim3A_258 = vector.broadcast %jit3A_257 : i32 to vector<16xi32>
            %select_n3A_259 = arith.select %and3A_241, %mul3A_256, %broadcast_in_dim3A_258 : vector<16xi1>, vector<16xi32>
            %add3A_260 = arith.constant 0 : i32
            %add3A_261 = vector.broadcast %add3A_260 : i32 to vector<16xi32>
            %add3A_262 = arith.addi %select_n3A_259, %add3A_261 : vector<16xi32>
            %gather3A_263 = arith.constant 0 : i32
            %gather3A_264 = tpu.memref_slice %arg15[%gather3A_263] : memref<2048xf32, #tpu.memory_space<vmem>> -> memref<2048xf32, #tpu.memory_space<vmem>>
            %gather3A_265 = tpu.vector_load_idx %gather3A_264[%add3A_262] : memref<2048xf32, #tpu.memory_space<vmem>>[vector<16xi32>], vector<16xf32>,
            %gather3A_266 = arith.constant 0 : i32
            %gather3A_267 = tpu.memref_slice %arg16[%gather3A_266] : memref<2048xi32, #tpu.memory_space<vmem>> -> memref<2048xi32, #tpu.memory_space<vmem>>
            %gather3A_268 = tpu.vector_load_idx %gather3A_267[%add3A_262] : memref<2048xi32, #tpu.memory_space<vmem>>[vector<16xi32>], vector<16xi32>,
            %gather3A_269 = arith.constant 0 : i32
            %gather3A_270 = tpu.memref_slice %arg17[%gather3A_269] : memref<2048xf32, #tpu.memory_space<vmem>> -> memref<2048xf32, #tpu.memory_space<vmem>>
            %gather3A_271 = tpu.vector_load_idx %gather3A_270[%add3A_262] : memref<2048xf32, #tpu.memory_space<vmem>>[vector<16xi32>], vector<16xf32>,
            %lt3A_272 = arith.cmpf olt, %gather3A_187, %gather3A_265 : vector<16xf32>
            %select_n3A_273 = arith.select %lt3A_272, %gather3A_187, %gather3A_265 : vector<16xi1>, vector<16xf32>
            %select_n3A_274 = arith.select %lt3A_272, %gather3A_265, %gather3A_187 : vector<16xi1>, vector<16xf32>
            %select_n3A_275 = arith.select %lt3A_272, %gather3A_190, %gather3A_268 : vector<16xi1>, vector<16xi32>
            %select_n3A_276 = arith.select %lt3A_272, %gather3A_268, %gather3A_190 : vector<16xi1>, vector<16xi32>
            %select_n3A_277 = arith.select %lt3A_272, %add3A_233, %gather3A_271 : vector<16xi1>, vector<16xf32>
            %select_n3A_278 = arith.select %lt3A_272, %gather3A_271, %add3A_233 : vector<16xi1>, vector<16xf32>
            %scatter3A = arith.constant 0 : i32
            %scatter3A_279 = tpu.memref_slice %arg15[%scatter3A] : memref<2048xf32, #tpu.memory_space<vmem>> -> memref<2048xf32, #tpu.memory_space<vmem>>
            tpu.vector_store_idx %scatter3A_279[%add3A_262], %select_n3A_273 masked %and3A_241 : memref<2048xf32, #tpu.memory_space<vmem>>[vector<16xi32>], vector<16xf32>, vector<16xi1>
            %scatter3A_280 = arith.constant 0 : i32
            %scatter3A_281 = tpu.memref_slice %arg16[%scatter3A_280] : memref<2048xi32, #tpu.memory_space<vmem>> -> memref<2048xi32, #tpu.memory_space<vmem>>
            tpu.vector_store_idx %scatter3A_281[%add3A_262], %select_n3A_275 masked %and3A_241 : memref<2048xi32, #tpu.memory_space<vmem>>[vector<16xi32>], vector<16xi32>, vector<16xi1>
            %scatter3A_282 = arith.constant 0 : i32
            %scatter3A_283 = tpu.memref_slice %arg17[%scatter3A_282] : memref<2048xf32, #tpu.memory_space<vmem>> -> memref<2048xf32, #tpu.memory_space<vmem>>
            tpu.vector_store_idx %scatter3A_283[%add3A_262], %select_n3A_277 masked %and3A_241 : memref<2048xf32, #tpu.memory_space<vmem>>[vector<16xi32>], vector<16xf32>, vector<16xi1>
            %add3A_284 = arith.constant 1 : i32
            %add3A_285 = vector.broadcast %add3A_284 : i32 to vector<16xi32>
            %add3A_286 = arith.addi %select_n3A_259, %add3A_285 : vector<16xi32>
            %gather3A_287 = arith.constant 0 : i32
            %gather3A_288 = tpu.memref_slice %arg15[%gather3A_287] : memref<2048xf32, #tpu.memory_space<vmem>> -> memref<2048xf32, #tpu.memory_space<vmem>>
            %gather3A_289 = tpu.vector_load_idx %gather3A_288[%add3A_286] : memref<2048xf32, #tpu.memory_space<vmem>>[vector<16xi32>], vector<16xf32>,
            %gather3A_290 = arith.constant 0 : i32
            %gather3A_291 = tpu.memref_slice %arg16[%gather3A_290] : memref<2048xi32, #tpu.memory_space<vmem>> -> memref<2048xi32, #tpu.memory_space<vmem>>
            %gather3A_292 = tpu.vector_load_idx %gather3A_291[%add3A_286] : memref<2048xi32, #tpu.memory_space<vmem>>[vector<16xi32>], vector<16xi32>,
            %gather3A_293 = arith.constant 0 : i32
            %gather3A_294 = tpu.memref_slice %arg17[%gather3A_293] : memref<2048xf32, #tpu.memory_space<vmem>> -> memref<2048xf32, #tpu.memory_space<vmem>>
            %gather3A_295 = tpu.vector_load_idx %gather3A_294[%add3A_286] : memref<2048xf32, #tpu.memory_space<vmem>>[vector<16xi32>], vector<16xf32>,
            %lt3A_296 = arith.cmpf olt, %select_n3A_274, %gather3A_289 : vector<16xf32>
            %select_n3A_297 = arith.select %lt3A_296, %select_n3A_274, %gather3A_289 : vector<16xi1>, vector<16xf32>
            %select_n3A_298 = arith.select %lt3A_296, %gather3A_289, %select_n3A_274 : vector<16xi1>, vector<16xf32>
            %select_n3A_299 = arith.select %lt3A_296, %select_n3A_276, %gather3A_292 : vector<16xi1>, vector<16xi32>
            %select_n3A_300 = arith.select %lt3A_296, %gather3A_292, %select_n3A_276 : vector<16xi1>, vector<16xi32>
            %select_n3A_301 = arith.select %lt3A_296, %select_n3A_278, %gather3A_295 : vector<16xi1>, vector<16xf32>
            %select_n3A_302 = arith.select %lt3A_296, %gather3A_295, %select_n3A_278 : vector<16xi1>, vector<16xf32>
            %scatter3A_303 = arith.constant 0 : i32
            %scatter3A_304 = tpu.memref_slice %arg15[%scatter3A_303] : memref<2048xf32, #tpu.memory_space<vmem>> -> memref<2048xf32, #tpu.memory_space<vmem>>
            tpu.vector_store_idx %scatter3A_304[%add3A_286], %select_n3A_297 masked %and3A_241 : memref<2048xf32, #tpu.memory_space<vmem>>[vector<16xi32>], vector<16xf32>, vector<16xi1>
            %scatter3A_305 = arith.constant 0 : i32
            %scatter3A_306 = tpu.memref_slice %arg16[%scatter3A_305] : memref<2048xi32, #tpu.memory_space<vmem>> -> memref<2048xi32, #tpu.memory_space<vmem>>
            tpu.vector_store_idx %scatter3A_306[%add3A_286], %select_n3A_299 masked %and3A_241 : memref<2048xi32, #tpu.memory_space<vmem>>[vector<16xi32>], vector<16xi32>, vector<16xi1>
            %scatter3A_307 = arith.constant 0 : i32
            %scatter3A_308 = tpu.memref_slice %arg17[%scatter3A_307] : memref<2048xf32, #tpu.memory_space<vmem>> -> memref<2048xf32, #tpu.memory_space<vmem>>
            tpu.vector_store_idx %scatter3A_308[%add3A_286], %select_n3A_301 masked %and3A_241 : memref<2048xf32, #tpu.memory_space<vmem>>[vector<16xi32>], vector<16xf32>, vector<16xi1>
            %add3A_309 = arith.constant 2 : i32
            %add3A_310 = vector.broadcast %add3A_309 : i32 to vector<16xi32>
            %add3A_311 = arith.addi %select_n3A_259, %add3A_310 : vector<16xi32>
            %gather3A_312 = arith.constant 0 : i32
            %gather3A_313 = tpu.memref_slice %arg15[%gather3A_312] : memref<2048xf32, #tpu.memory_space<vmem>> -> memref<2048xf32, #tpu.memory_space<vmem>>
            %gather3A_314 = tpu.vector_load_idx %gather3A_313[%add3A_311] : memref<2048xf32, #tpu.memory_space<vmem>>[vector<16xi32>], vector<16xf32>,
            %gather3A_315 = arith.constant 0 : i32
            %gather3A_316 = tpu.memref_slice %arg16[%gather3A_315] : memref<2048xi32, #tpu.memory_space<vmem>> -> memref<2048xi32, #tpu.memory_space<vmem>>
            %gather3A_317 = tpu.vector_load_idx %gather3A_316[%add3A_311] : memref<2048xi32, #tpu.memory_space<vmem>>[vector<16xi32>], vector<16xi32>,
            %gather3A_318 = arith.constant 0 : i32
            %gather3A_319 = tpu.memref_slice %arg17[%gather3A_318] : memref<2048xf32, #tpu.memory_space<vmem>> -> memref<2048xf32, #tpu.memory_space<vmem>>
            %gather3A_320 = tpu.vector_load_idx %gather3A_319[%add3A_311] : memref<2048xf32, #tpu.memory_space<vmem>>[vector<16xi32>], vector<16xf32>,
            %lt3A_321 = arith.cmpf olt, %select_n3A_298, %gather3A_314 : vector<16xf32>
            %select_n3A_322 = arith.select %lt3A_321, %select_n3A_298, %gather3A_314 : vector<16xi1>, vector<16xf32>
            %select_n3A_323 = arith.select %lt3A_321, %gather3A_314, %select_n3A_298 : vector<16xi1>, vector<16xf32>
            %select_n3A_324 = arith.select %lt3A_321, %select_n3A_300, %gather3A_317 : vector<16xi1>, vector<16xi32>
            %select_n3A_325 = arith.select %lt3A_321, %gather3A_317, %select_n3A_300 : vector<16xi1>, vector<16xi32>
            %select_n3A_326 = arith.select %lt3A_321, %select_n3A_302, %gather3A_320 : vector<16xi1>, vector<16xf32>
            %select_n3A_327 = arith.select %lt3A_321, %gather3A_320, %select_n3A_302 : vector<16xi1>, vector<16xf32>
            %scatter3A_328 = arith.constant 0 : i32
            %scatter3A_329 = tpu.memref_slice %arg15[%scatter3A_328] : memref<2048xf32, #tpu.memory_space<vmem>> -> memref<2048xf32, #tpu.memory_space<vmem>>
            tpu.vector_store_idx %scatter3A_329[%add3A_311], %select_n3A_322 masked %and3A_241 : memref<2048xf32, #tpu.memory_space<vmem>>[vector<16xi32>], vector<16xf32>, vector<16xi1>
            %scatter3A_330 = arith.constant 0 : i32
            %scatter3A_331 = tpu.memref_slice %arg16[%scatter3A_330] : memref<2048xi32, #tpu.memory_space<vmem>> -> memref<2048xi32, #tpu.memory_space<vmem>>
            tpu.vector_store_idx %scatter3A_331[%add3A_311], %select_n3A_324 masked %and3A_241 : memref<2048xi32, #tpu.memory_space<vmem>>[vector<16xi32>], vector<16xi32>, vector<16xi1>
            %scatter3A_332 = arith.constant 0 : i32
            %scatter3A_333 = tpu.memref_slice %arg17[%scatter3A_332] : memref<2048xf32, #tpu.memory_space<vmem>> -> memref<2048xf32, #tpu.memory_space<vmem>>
            tpu.vector_store_idx %scatter3A_333[%add3A_311], %select_n3A_326 masked %and3A_241 : memref<2048xf32, #tpu.memory_space<vmem>>[vector<16xi32>], vector<16xf32>, vector<16xi1>
            %add3A_334 = arith.constant 3 : i32
            %add3A_335 = vector.broadcast %add3A_334 : i32 to vector<16xi32>
            %add3A_336 = arith.addi %select_n3A_259, %add3A_335 : vector<16xi32>
            %gather3A_337 = arith.constant 0 : i32
            %gather3A_338 = tpu.memref_slice %arg15[%gather3A_337] : memref<2048xf32, #tpu.memory_space<vmem>> -> memref<2048xf32, #tpu.memory_space<vmem>>
            %gather3A_339 = tpu.vector_load_idx %gather3A_338[%add3A_336] : memref<2048xf32, #tpu.memory_space<vmem>>[vector<16xi32>], vector<16xf32>,
            %gather3A_340 = arith.constant 0 : i32
            %gather3A_341 = tpu.memref_slice %arg16[%gather3A_340] : memref<2048xi32, #tpu.memory_space<vmem>> -> memref<2048xi32, #tpu.memory_space<vmem>>
            %gather3A_342 = tpu.vector_load_idx %gather3A_341[%add3A_336] : memref<2048xi32, #tpu.memory_space<vmem>>[vector<16xi32>], vector<16xi32>,
            %gather3A_343 = arith.constant 0 : i32
            %gather3A_344 = tpu.memref_slice %arg17[%gather3A_343] : memref<2048xf32, #tpu.memory_space<vmem>> -> memref<2048xf32, #tpu.memory_space<vmem>>
            %gather3A_345 = tpu.vector_load_idx %gather3A_344[%add3A_336] : memref<2048xf32, #tpu.memory_space<vmem>>[vector<16xi32>], vector<16xf32>,
            %lt3A_346 = arith.cmpf olt, %select_n3A_323, %gather3A_339 : vector<16xf32>
            %select_n3A_347 = arith.select %lt3A_346, %select_n3A_323, %gather3A_339 : vector<16xi1>, vector<16xf32>
            %select_n3A_348 = arith.select %lt3A_346, %gather3A_339, %select_n3A_323 : vector<16xi1>, vector<16xf32>
            %select_n3A_349 = arith.select %lt3A_346, %select_n3A_325, %gather3A_342 : vector<16xi1>, vector<16xi32>
            %select_n3A_350 = arith.select %lt3A_346, %gather3A_342, %select_n3A_325 : vector<16xi1>, vector<16xi32>
            %select_n3A_351 = arith.select %lt3A_346, %select_n3A_327, %gather3A_345 : vector<16xi1>, vector<16xf32>
            %select_n3A_352 = arith.select %lt3A_346, %gather3A_345, %select_n3A_327 : vector<16xi1>, vector<16xf32>
            %scatter3A_353 = arith.constant 0 : i32
            %scatter3A_354 = tpu.memref_slice %arg15[%scatter3A_353] : memref<2048xf32, #tpu.memory_space<vmem>> -> memref<2048xf32, #tpu.memory_space<vmem>>
            tpu.vector_store_idx %scatter3A_354[%add3A_336], %select_n3A_347 masked %and3A_241 : memref<2048xf32, #tpu.memory_space<vmem>>[vector<16xi32>], vector<16xf32>, vector<16xi1>
            %scatter3A_355 = arith.constant 0 : i32
            %scatter3A_356 = tpu.memref_slice %arg16[%scatter3A_355] : memref<2048xi32, #tpu.memory_space<vmem>> -> memref<2048xi32, #tpu.memory_space<vmem>>
            tpu.vector_store_idx %scatter3A_356[%add3A_336], %select_n3A_349 masked %and3A_241 : memref<2048xi32, #tpu.memory_space<vmem>>[vector<16xi32>], vector<16xi32>, vector<16xi1>
            %scatter3A_357 = arith.constant 0 : i32
            %scatter3A_358 = tpu.memref_slice %arg17[%scatter3A_357] : memref<2048xf32, #tpu.memory_space<vmem>> -> memref<2048xf32, #tpu.memory_space<vmem>>
            tpu.vector_store_idx %scatter3A_358[%add3A_336], %select_n3A_351 masked %and3A_241 : memref<2048xf32, #tpu.memory_space<vmem>>[vector<16xi32>], vector<16xf32>, vector<16xi1>
            %add3A_359 = arith.constant 4 : i32
            %add3A_360 = vector.broadcast %add3A_359 : i32 to vector<16xi32>
            %add3A_361 = arith.addi %select_n3A_259, %add3A_360 : vector<16xi32>
            %gather3A_362 = arith.constant 0 : i32
            %gather3A_363 = tpu.memref_slice %arg15[%gather3A_362] : memref<2048xf32, #tpu.memory_space<vmem>> -> memref<2048xf32, #tpu.memory_space<vmem>>
            %gather3A_364 = tpu.vector_load_idx %gather3A_363[%add3A_361] : memref<2048xf32, #tpu.memory_space<vmem>>[vector<16xi32>], vector<16xf32>,
            %gather3A_365 = arith.constant 0 : i32
            %gather3A_366 = tpu.memref_slice %arg16[%gather3A_365] : memref<2048xi32, #tpu.memory_space<vmem>> -> memref<2048xi32, #tpu.memory_space<vmem>>
            %gather3A_367 = tpu.vector_load_idx %gather3A_366[%add3A_361] : memref<2048xi32, #tpu.memory_space<vmem>>[vector<16xi32>], vector<16xi32>,
            %gather3A_368 = arith.constant 0 : i32
            %gather3A_369 = tpu.memref_slice %arg17[%gather3A_368] : memref<2048xf32, #tpu.memory_space<vmem>> -> memref<2048xf32, #tpu.memory_space<vmem>>
            %gather3A_370 = tpu.vector_load_idx %gather3A_369[%add3A_361] : memref<2048xf32, #tpu.memory_space<vmem>>[vector<16xi32>], vector<16xf32>,
            %lt3A_371 = arith.cmpf olt, %select_n3A_348, %gather3A_364 : vector<16xf32>
            %select_n3A_372 = arith.select %lt3A_371, %select_n3A_348, %gather3A_364 : vector<16xi1>, vector<16xf32>
            %select_n3A_373 = arith.select %lt3A_371, %gather3A_364, %select_n3A_348 : vector<16xi1>, vector<16xf32>
            %select_n3A_374 = arith.select %lt3A_371, %select_n3A_350, %gather3A_367 : vector<16xi1>, vector<16xi32>
            %select_n3A_375 = arith.select %lt3A_371, %gather3A_367, %select_n3A_350 : vector<16xi1>, vector<16xi32>
            %select_n3A_376 = arith.select %lt3A_371, %select_n3A_352, %gather3A_370 : vector<16xi1>, vector<16xf32>
            %select_n3A_377 = arith.select %lt3A_371, %gather3A_370, %select_n3A_352 : vector<16xi1>, vector<16xf32>
            %scatter3A_378 = arith.constant 0 : i32
            %scatter3A_379 = tpu.memref_slice %arg15[%scatter3A_378] : memref<2048xf32, #tpu.memory_space<vmem>> -> memref<2048xf32, #tpu.memory_space<vmem>>
            tpu.vector_store_idx %scatter3A_379[%add3A_361], %select_n3A_372 masked %and3A_241 : memref<2048xf32, #tpu.memory_space<vmem>>[vector<16xi32>], vector<16xf32>, vector<16xi1>
            %scatter3A_380 = arith.constant 0 : i32
            %scatter3A_381 = tpu.memref_slice %arg16[%scatter3A_380] : memref<2048xi32, #tpu.memory_space<vmem>> -> memref<2048xi32, #tpu.memory_space<vmem>>
            tpu.vector_store_idx %scatter3A_381[%add3A_361], %select_n3A_374 masked %and3A_241 : memref<2048xi32, #tpu.memory_space<vmem>>[vector<16xi32>], vector<16xi32>, vector<16xi1>
            %scatter3A_382 = arith.constant 0 : i32
            %scatter3A_383 = tpu.memref_slice %arg17[%scatter3A_382] : memref<2048xf32, #tpu.memory_space<vmem>> -> memref<2048xf32, #tpu.memory_space<vmem>>
            tpu.vector_store_idx %scatter3A_383[%add3A_361], %select_n3A_376 masked %and3A_241 : memref<2048xf32, #tpu.memory_space<vmem>>[vector<16xi32>], vector<16xf32>, vector<16xi1>
            %add3A_384 = arith.constant 5 : i32
            %add3A_385 = vector.broadcast %add3A_384 : i32 to vector<16xi32>
            %add3A_386 = arith.addi %select_n3A_259, %add3A_385 : vector<16xi32>
            %gather3A_387 = arith.constant 0 : i32
            %gather3A_388 = tpu.memref_slice %arg15[%gather3A_387] : memref<2048xf32, #tpu.memory_space<vmem>> -> memref<2048xf32, #tpu.memory_space<vmem>>
            %gather3A_389 = tpu.vector_load_idx %gather3A_388[%add3A_386] : memref<2048xf32, #tpu.memory_space<vmem>>[vector<16xi32>], vector<16xf32>,
            %gather3A_390 = arith.constant 0 : i32
            %gather3A_391 = tpu.memref_slice %arg16[%gather3A_390] : memref<2048xi32, #tpu.memory_space<vmem>> -> memref<2048xi32, #tpu.memory_space<vmem>>
            %gather3A_392 = tpu.vector_load_idx %gather3A_391[%add3A_386] : memref<2048xi32, #tpu.memory_space<vmem>>[vector<16xi32>], vector<16xi32>,
            %gather3A_393 = arith.constant 0 : i32
            %gather3A_394 = tpu.memref_slice %arg17[%gather3A_393] : memref<2048xf32, #tpu.memory_space<vmem>> -> memref<2048xf32, #tpu.memory_space<vmem>>
            %gather3A_395 = tpu.vector_load_idx %gather3A_394[%add3A_386] : memref<2048xf32, #tpu.memory_space<vmem>>[vector<16xi32>], vector<16xf32>,
            %lt3A_396 = arith.cmpf olt, %select_n3A_373, %gather3A_389 : vector<16xf32>
            %select_n3A_397 = arith.select %lt3A_396, %select_n3A_373, %gather3A_389 : vector<16xi1>, vector<16xf32>
            %select_n3A_398 = arith.select %lt3A_396, %gather3A_389, %select_n3A_373 : vector<16xi1>, vector<16xf32>
            %select_n3A_399 = arith.select %lt3A_396, %select_n3A_375, %gather3A_392 : vector<16xi1>, vector<16xi32>
            %select_n3A_400 = arith.select %lt3A_396, %gather3A_392, %select_n3A_375 : vector<16xi1>, vector<16xi32>
            %select_n3A_401 = arith.select %lt3A_396, %select_n3A_377, %gather3A_395 : vector<16xi1>, vector<16xf32>
            %select_n3A_402 = arith.select %lt3A_396, %gather3A_395, %select_n3A_377 : vector<16xi1>, vector<16xf32>
            %scatter3A_403 = arith.constant 0 : i32
            %scatter3A_404 = tpu.memref_slice %arg15[%scatter3A_403] : memref<2048xf32, #tpu.memory_space<vmem>> -> memref<2048xf32, #tpu.memory_space<vmem>>
            tpu.vector_store_idx %scatter3A_404[%add3A_386], %select_n3A_397 masked %and3A_241 : memref<2048xf32, #tpu.memory_space<vmem>>[vector<16xi32>], vector<16xf32>, vector<16xi1>
            %scatter3A_405 = arith.constant 0 : i32
            %scatter3A_406 = tpu.memref_slice %arg16[%scatter3A_405] : memref<2048xi32, #tpu.memory_space<vmem>> -> memref<2048xi32, #tpu.memory_space<vmem>>
            tpu.vector_store_idx %scatter3A_406[%add3A_386], %select_n3A_399 masked %and3A_241 : memref<2048xi32, #tpu.memory_space<vmem>>[vector<16xi32>], vector<16xi32>, vector<16xi1>
            %scatter3A_407 = arith.constant 0 : i32
            %scatter3A_408 = tpu.memref_slice %arg17[%scatter3A_407] : memref<2048xf32, #tpu.memory_space<vmem>> -> memref<2048xf32, #tpu.memory_space<vmem>>
            tpu.vector_store_idx %scatter3A_408[%add3A_386], %select_n3A_401 masked %and3A_241 : memref<2048xf32, #tpu.memory_space<vmem>>[vector<16xi32>], vector<16xf32>, vector<16xi1>
            %add3A_409 = arith.constant 6 : i32
            %add3A_410 = vector.broadcast %add3A_409 : i32 to vector<16xi32>
            %add3A_411 = arith.addi %select_n3A_259, %add3A_410 : vector<16xi32>
            %gather3A_412 = arith.constant 0 : i32
            %gather3A_413 = tpu.memref_slice %arg15[%gather3A_412] : memref<2048xf32, #tpu.memory_space<vmem>> -> memref<2048xf32, #tpu.memory_space<vmem>>
            %gather3A_414 = tpu.vector_load_idx %gather3A_413[%add3A_411] : memref<2048xf32, #tpu.memory_space<vmem>>[vector<16xi32>], vector<16xf32>,
            %gather3A_415 = arith.constant 0 : i32
            %gather3A_416 = tpu.memref_slice %arg16[%gather3A_415] : memref<2048xi32, #tpu.memory_space<vmem>> -> memref<2048xi32, #tpu.memory_space<vmem>>
            %gather3A_417 = tpu.vector_load_idx %gather3A_416[%add3A_411] : memref<2048xi32, #tpu.memory_space<vmem>>[vector<16xi32>], vector<16xi32>,
            %gather3A_418 = arith.constant 0 : i32
            %gather3A_419 = tpu.memref_slice %arg17[%gather3A_418] : memref<2048xf32, #tpu.memory_space<vmem>> -> memref<2048xf32, #tpu.memory_space<vmem>>
            %gather3A_420 = tpu.vector_load_idx %gather3A_419[%add3A_411] : memref<2048xf32, #tpu.memory_space<vmem>>[vector<16xi32>], vector<16xf32>,
            %lt3A_421 = arith.cmpf olt, %select_n3A_398, %gather3A_414 : vector<16xf32>
            %select_n3A_422 = arith.select %lt3A_421, %select_n3A_398, %gather3A_414 : vector<16xi1>, vector<16xf32>
            %select_n3A_423 = arith.select %lt3A_421, %gather3A_414, %select_n3A_398 : vector<16xi1>, vector<16xf32>
            %select_n3A_424 = arith.select %lt3A_421, %select_n3A_400, %gather3A_417 : vector<16xi1>, vector<16xi32>
            %select_n3A_425 = arith.select %lt3A_421, %gather3A_417, %select_n3A_400 : vector<16xi1>, vector<16xi32>
            %select_n3A_426 = arith.select %lt3A_421, %select_n3A_402, %gather3A_420 : vector<16xi1>, vector<16xf32>
            %select_n3A_427 = arith.select %lt3A_421, %gather3A_420, %select_n3A_402 : vector<16xi1>, vector<16xf32>
            %scatter3A_428 = arith.constant 0 : i32
            %scatter3A_429 = tpu.memref_slice %arg15[%scatter3A_428] : memref<2048xf32, #tpu.memory_space<vmem>> -> memref<2048xf32, #tpu.memory_space<vmem>>
            tpu.vector_store_idx %scatter3A_429[%add3A_411], %select_n3A_422 masked %and3A_241 : memref<2048xf32, #tpu.memory_space<vmem>>[vector<16xi32>], vector<16xf32>, vector<16xi1>
            %scatter3A_430 = arith.constant 0 : i32
            %scatter3A_431 = tpu.memref_slice %arg16[%scatter3A_430] : memref<2048xi32, #tpu.memory_space<vmem>> -> memref<2048xi32, #tpu.memory_space<vmem>>
            tpu.vector_store_idx %scatter3A_431[%add3A_411], %select_n3A_424 masked %and3A_241 : memref<2048xi32, #tpu.memory_space<vmem>>[vector<16xi32>], vector<16xi32>, vector<16xi1>
            %scatter3A_432 = arith.constant 0 : i32
            %scatter3A_433 = tpu.memref_slice %arg17[%scatter3A_432] : memref<2048xf32, #tpu.memory_space<vmem>> -> memref<2048xf32, #tpu.memory_space<vmem>>
            tpu.vector_store_idx %scatter3A_433[%add3A_411], %select_n3A_426 masked %and3A_241 : memref<2048xf32, #tpu.memory_space<vmem>>[vector<16xi32>], vector<16xf32>, vector<16xi1>
            %add3A_434 = arith.constant 7 : i32
            %add3A_435 = vector.broadcast %add3A_434 : i32 to vector<16xi32>
            %add3A_436 = arith.addi %select_n3A_259, %add3A_435 : vector<16xi32>
            %gather3A_437 = arith.constant 0 : i32
            %gather3A_438 = tpu.memref_slice %arg15[%gather3A_437] : memref<2048xf32, #tpu.memory_space<vmem>> -> memref<2048xf32, #tpu.memory_space<vmem>>
            %gather3A_439 = tpu.vector_load_idx %gather3A_438[%add3A_436] : memref<2048xf32, #tpu.memory_space<vmem>>[vector<16xi32>], vector<16xf32>,
            %gather3A_440 = arith.constant 0 : i32
            %gather3A_441 = tpu.memref_slice %arg16[%gather3A_440] : memref<2048xi32, #tpu.memory_space<vmem>> -> memref<2048xi32, #tpu.memory_space<vmem>>
            %gather3A_442 = tpu.vector_load_idx %gather3A_441[%add3A_436] : memref<2048xi32, #tpu.memory_space<vmem>>[vector<16xi32>], vector<16xi32>,
            %gather3A_443 = arith.constant 0 : i32
            %gather3A_444 = tpu.memref_slice %arg17[%gather3A_443] : memref<2048xf32, #tpu.memory_space<vmem>> -> memref<2048xf32, #tpu.memory_space<vmem>>
            %gather3A_445 = tpu.vector_load_idx %gather3A_444[%add3A_436] : memref<2048xf32, #tpu.memory_space<vmem>>[vector<16xi32>], vector<16xf32>,
            %lt3A_446 = arith.cmpf olt, %select_n3A_423, %gather3A_439 : vector<16xf32>
            %select_n3A_447 = arith.select %lt3A_446, %select_n3A_423, %gather3A_439 : vector<16xi1>, vector<16xf32>
            %select_n3A_448 = arith.select %lt3A_446, %gather3A_439, %select_n3A_423 : vector<16xi1>, vector<16xf32>
            %select_n3A_449 = arith.select %lt3A_446, %select_n3A_425, %gather3A_442 : vector<16xi1>, vector<16xi32>
            %select_n3A_450 = arith.select %lt3A_446, %gather3A_442, %select_n3A_425 : vector<16xi1>, vector<16xi32>
            %select_n3A_451 = arith.select %lt3A_446, %select_n3A_427, %gather3A_445 : vector<16xi1>, vector<16xf32>
            %select_n3A_452 = arith.select %lt3A_446, %gather3A_445, %select_n3A_427 : vector<16xi1>, vector<16xf32>
            %scatter3A_453 = arith.constant 0 : i32
            %scatter3A_454 = tpu.memref_slice %arg15[%scatter3A_453] : memref<2048xf32, #tpu.memory_space<vmem>> -> memref<2048xf32, #tpu.memory_space<vmem>>
            tpu.vector_store_idx %scatter3A_454[%add3A_436], %select_n3A_447 masked %and3A_241 : memref<2048xf32, #tpu.memory_space<vmem>>[vector<16xi32>], vector<16xf32>, vector<16xi1>
            %scatter3A_455 = arith.constant 0 : i32
            %scatter3A_456 = tpu.memref_slice %arg16[%scatter3A_455] : memref<2048xi32, #tpu.memory_space<vmem>> -> memref<2048xi32, #tpu.memory_space<vmem>>
            tpu.vector_store_idx %scatter3A_456[%add3A_436], %select_n3A_449 masked %and3A_241 : memref<2048xi32, #tpu.memory_space<vmem>>[vector<16xi32>], vector<16xi32>, vector<16xi1>
            %scatter3A_457 = arith.constant 0 : i32
            %scatter3A_458 = tpu.memref_slice %arg17[%scatter3A_457] : memref<2048xf32, #tpu.memory_space<vmem>> -> memref<2048xf32, #tpu.memory_space<vmem>>
            tpu.vector_store_idx %scatter3A_458[%add3A_436], %select_n3A_451 masked %and3A_241 : memref<2048xf32, #tpu.memory_space<vmem>>[vector<16xi32>], vector<16xf32>, vector<16xi1>
          } else {
          }
        }
        %while3A_177 = arith.constant 1 : i32
        scf.for %while3A_178 = %while3A_175 to %while3A_171 step %while3A_177  : i32 {
          %broadcast_in_dim3A_179 = vector.broadcast %while3A_178 : i32 to vector<16xi32>
          %gather3A = arith.constant 0 : i32
          %gather3A_180 = tpu.memref_slice %arg11[%gather3A] : memref<16xf32, #tpu.memory_space<vmem>> -> memref<16xf32, #tpu.memory_space<vmem>>
          %gather3A_181 = tpu.vector_load_idx %gather3A_180[%broadcast_in_dim3A_179] : memref<16xf32, #tpu.memory_space<vmem>>[vector<16xi32>], vector<16xf32>,
          %gather3A_182 = arith.constant 0 : i32
          %gather3A_183 = tpu.memref_slice %arg12[%gather3A_182] : memref<16xf32, #tpu.memory_space<vmem>> -> memref<16xf32, #tpu.memory_space<vmem>>
          %gather3A_184 = tpu.vector_load_idx %gather3A_183[%broadcast_in_dim3A_179] : memref<16xf32, #tpu.memory_space<vmem>>[vector<16xi32>], vector<16xf32>,
          %gather3A_185 = arith.constant 0 : i32
          %gather3A_186 = tpu.memref_slice %arg13[%gather3A_185] : memref<16xf32, #tpu.memory_space<vmem>> -> memref<16xf32, #tpu.memory_space<vmem>>
          %gather3A_187 = tpu.vector_load_idx %gather3A_186[%broadcast_in_dim3A_179] : memref<16xf32, #tpu.memory_space<vmem>>[vector<16xi32>], vector<16xf32>,
          %gather3A_188 = arith.constant 0 : i32
          %gather3A_189 = tpu.memref_slice %arg14[%gather3A_188] : memref<16xi32, #tpu.memory_space<vmem>> -> memref<16xi32, #tpu.memory_space<vmem>>
          %gather3A_190 = tpu.vector_load_idx %gather3A_189[%broadcast_in_dim3A_179] : memref<16xi32, #tpu.memory_space<vmem>>[vector<16xi32>], vector<16xi32>,
          %sub3A_191 = arith.constant 1.000000e+00 : f32
          %sub3A_192 = vector.broadcast %sub3A_191 : f32 to vector<16xf32>
          %sub3A_193 = arith.subf %sub3A_192, %gather3A_181 : vector<16xf32>
          %sub3A_194 = arith.constant 5.000000e-02 : f32
          %sub3A_195 = vector.broadcast %sub3A_194 : f32 to vector<16xf32>
          %sub3A_196 = arith.subf %sub3A_193, %sub3A_195 : vector<16xf32>
          %mul3A_197 = arith.constant 3.200000e+01 : f32
          %mul3A_198 = vector.broadcast %mul3A_197 : f32 to vector<16xf32>
          %mul3A_199 = arith.mulf %sub3A_196, %mul3A_198 : vector<16xf32>
          %sub3A_200 = arith.constant 5.000000e-01 : f32
          %sub3A_201 = vector.broadcast %sub3A_200 : f32 to vector<16xf32>
          %sub3A_202 = arith.subf %mul3A_199, %sub3A_201 : vector<16xf32>
          %sub3A_203 = arith.constant 1.000000e-03 : f32
          %sub3A_204 = vector.broadcast %sub3A_203 : f32 to vector<16xf32>
          %sub3A_205 = arith.subf %sub3A_202, %sub3A_204 : vector<16xf32>
          %convert_element_type3A_206 = arith.fptosi %sub3A_205 : vector<16xf32> to vector<16xi32>
          %convert_element_type3A_207 = arith.sitofp %convert_element_type3A_206 : vector<16xi32> to vector<16xf32>
          %gt3A_208 = arith.cmpf ogt, %convert_element_type3A_207, %sub3A_205 : vector<16xf32>
          %jit3A_209 = arith.constant 1 : i32
          %jit3A_210 = arith.constant 0 : i32
          %broadcast_in_dim3A_211 = vector.broadcast %jit3A_209 : i32 to vector<16xi32>
          %broadcast_in_dim3A_212 = vector.broadcast %jit3A_210 : i32 to vector<16xi32>
          %select_n3A_213 = arith.select %gt3A_208, %broadcast_in_dim3A_211, %broadcast_in_dim3A_212 : vector<16xi1>, vector<16xi32>
          %sub3A_214 = arith.subi %convert_element_type3A_206, %select_n3A_213 : vector<16xi32>
          %add3A_215 = arith.constant 1 : i32
          %add3A_216 = vector.broadcast %add3A_215 : i32 to vector<16xi32>
          %add3A_217 = arith.addi %sub3A_214, %add3A_216 : vector<16xi32>
          %add3A_218 = arith.addi %add3A_217, %and3A_10 : vector<16xi32>
          %convert_element_type3A_219 = arith.sitofp %add3A_218 : vector<16xi32> to vector<16xf32>
          %add3A_220 = arith.constant 5.000000e-01 : f32
          %add3A_221 = vector.broadcast %add3A_220 : f32 to vector<16xf32>
          %add3A_222 = arith.addf %convert_element_type3A_219, %add3A_221 : vector<16xf32>
          %mul3A_223 = arith.constant 3.125000e-02 : f32
          %mul3A_224 = vector.broadcast %mul3A_223 : f32 to vector<16xf32>
          %mul3A_225 = arith.mulf %add3A_222, %mul3A_224 : vector<16xf32>
          %sub3A_226 = arith.constant 1.000000e+00 : f32
          %sub3A_227 = vector.broadcast %sub3A_226 : f32 to vector<16xf32>
          %sub3A_228 = arith.subf %sub3A_227, %mul3A_225 : vector<16xf32>
          %sub3A_229 = arith.subf %sub3A_228, %gather3A_181 : vector<16xf32>
          %sub3A_230 = arith.subf %sub3A_23, %gather3A_184 : vector<16xf32>
          %mul3A_231 = arith.mulf %sub3A_229, %sub3A_229 : vector<16xf32>
          %mul3A_232 = arith.mulf %sub3A_230, %sub3A_230 : vector<16xf32>
          %add3A_233 = arith.addf %mul3A_231, %mul3A_232 : vector<16xf32>
          %lt3A_234 = arith.cmpf olt, %add3A_233, %broadcast_in_dim3A_62 : vector<16xf32>
          %ge3A = arith.constant 0 : i32
          %ge3A_235 = vector.broadcast %ge3A : i32 to vector<16xi32>
          %ge3A_236 = arith.cmpi sge, %add3A_218, %ge3A_235 : vector<16xi32>
          %and3A_237 = arith.andi %lt3A_234, %ge3A_236 : vector<16xi1>
          %lt3A_238 = arith.constant 64 : i32
          %lt3A_239 = vector.broadcast %lt3A_238 : i32 to vector<16xi32>
          %lt3A_240 = arith.cmpi slt, %add3A_218, %lt3A_239 : vector<16xi32>
          %and3A_241 = arith.andi %and3A_237, %lt3A_240 : vector<16xi1>
          %all_reduce_population_count3A_242 = tpu.all_reduce %and3A_241 {dim = 0 : i64, kind = #tpu.reduction_kind<sum>} : vector<16xi1> -> vector<16xi32>
          %slice3A_243 = vector.extract_strided_slice %all_reduce_population_count3A_242 {offsets = [0], sizes = [1], strides = [1]} : vector<16xi32> to vector<1xi32>
          %squeeze3A_244 = vector.extract %slice3A_243[0] : i32 from vector<1xi32>
          %gt3A_245 = arith.constant 0 : i32
          %gt3A_246 = arith.cmpi sgt, %squeeze3A_244, %gt3A_245 : i32
          %convert_element_type3A_247 = arith.extui %gt3A_246 : i1 to i32
          %cond3A_248 = arith.constant 0 : i32
          %cond3A_249 = arith.cmpi ne, %convert_element_type3A_247, %cond3A_248 : i32
          scf.if %cond3A_249 {
            %mul3A_250 = arith.constant 64 : i32
            %mul3A_251 = vector.broadcast %mul3A_250 : i32 to vector<16xi32>
            %mul3A_252 = arith.muli %shift_right_arithmetic3A_13, %mul3A_251 : vector<16xi32>
            %add3A_253 = arith.addi %mul3A_252, %add3A_218 : vector<16xi32>
            %mul3A_254 = arith.constant 8 : i32
            %mul3A_255 = vector.broadcast %mul3A_254 : i32 to vector<16xi32>
            %mul3A_256 = arith.muli %add3A_253, %mul3A_255 : vector<16xi32>
            %jit3A_257 = arith.constant 0 : i32
            %broadcast_in_dim3A_258 = vector.broadcast %jit3A_257 : i32 to vector<16xi32>
            %select_n3A_259 = arith.select %and3A_241, %mul3A_256, %broadcast_in_dim3A_258 : vector<16xi1>, vector<16xi32>
            %add3A_260 = arith.constant 0 : i32
            %add3A_261 = vector.broadcast %add3A_260 : i32 to vector<16xi32>
            %add3A_262 = arith.addi %select_n3A_259, %add3A_261 : vector<16xi32>
            %gather3A_263 = arith.constant 0 : i32
            %gather3A_264 = tpu.memref_slice %arg15[%gather3A_263] : memref<2048xf32, #tpu.memory_space<vmem>> -> memref<2048xf32, #tpu.memory_space<vmem>>
            %gather3A_265 = tpu.vector_load_idx %gather3A_264[%add3A_262] : memref<2048xf32, #tpu.memory_space<vmem>>[vector<16xi32>], vector<16xf32>,
            %gather3A_266 = arith.constant 0 : i32
            %gather3A_267 = tpu.memref_slice %arg16[%gather3A_266] : memref<2048xi32, #tpu.memory_space<vmem>> -> memref<2048xi32, #tpu.memory_space<vmem>>
            %gather3A_268 = tpu.vector_load_idx %gather3A_267[%add3A_262] : memref<2048xi32, #tpu.memory_space<vmem>>[vector<16xi32>], vector<16xi32>,
            %gather3A_269 = arith.constant 0 : i32
            %gather3A_270 = tpu.memref_slice %arg17[%gather3A_269] : memref<2048xf32, #tpu.memory_space<vmem>> -> memref<2048xf32, #tpu.memory_space<vmem>>
            %gather3A_271 = tpu.vector_load_idx %gather3A_270[%add3A_262] : memref<2048xf32, #tpu.memory_space<vmem>>[vector<16xi32>], vector<16xf32>,
            %lt3A_272 = arith.cmpf olt, %gather3A_187, %gather3A_265 : vector<16xf32>
            %select_n3A_273 = arith.select %lt3A_272, %gather3A_187, %gather3A_265 : vector<16xi1>, vector<16xf32>
            %select_n3A_274 = arith.select %lt3A_272, %gather3A_265, %gather3A_187 : vector<16xi1>, vector<16xf32>
            %select_n3A_275 = arith.select %lt3A_272, %gather3A_190, %gather3A_268 : vector<16xi1>, vector<16xi32>
            %select_n3A_276 = arith.select %lt3A_272, %gather3A_268, %gather3A_190 : vector<16xi1>, vector<16xi32>
            %select_n3A_277 = arith.select %lt3A_272, %add3A_233, %gather3A_271 : vector<16xi1>, vector<16xf32>
            %select_n3A_278 = arith.select %lt3A_272, %gather3A_271, %add3A_233 : vector<16xi1>, vector<16xf32>
            %scatter3A = arith.constant 0 : i32
            %scatter3A_279 = tpu.memref_slice %arg15[%scatter3A] : memref<2048xf32, #tpu.memory_space<vmem>> -> memref<2048xf32, #tpu.memory_space<vmem>>
            tpu.vector_store_idx %scatter3A_279[%add3A_262], %select_n3A_273 masked %and3A_241 : memref<2048xf32, #tpu.memory_space<vmem>>[vector<16xi32>], vector<16xf32>, vector<16xi1>
            %scatter3A_280 = arith.constant 0 : i32
            %scatter3A_281 = tpu.memref_slice %arg16[%scatter3A_280] : memref<2048xi32, #tpu.memory_space<vmem>> -> memref<2048xi32, #tpu.memory_space<vmem>>
            tpu.vector_store_idx %scatter3A_281[%add3A_262], %select_n3A_275 masked %and3A_241 : memref<2048xi32, #tpu.memory_space<vmem>>[vector<16xi32>], vector<16xi32>, vector<16xi1>
            %scatter3A_282 = arith.constant 0 : i32
            %scatter3A_283 = tpu.memref_slice %arg17[%scatter3A_282] : memref<2048xf32, #tpu.memory_space<vmem>> -> memref<2048xf32, #tpu.memory_space<vmem>>
            tpu.vector_store_idx %scatter3A_283[%add3A_262], %select_n3A_277 masked %and3A_241 : memref<2048xf32, #tpu.memory_space<vmem>>[vector<16xi32>], vector<16xf32>, vector<16xi1>
            %add3A_284 = arith.constant 1 : i32
            %add3A_285 = vector.broadcast %add3A_284 : i32 to vector<16xi32>
            %add3A_286 = arith.addi %select_n3A_259, %add3A_285 : vector<16xi32>
            %gather3A_287 = arith.constant 0 : i32
            %gather3A_288 = tpu.memref_slice %arg15[%gather3A_287] : memref<2048xf32, #tpu.memory_space<vmem>> -> memref<2048xf32, #tpu.memory_space<vmem>>
            %gather3A_289 = tpu.vector_load_idx %gather3A_288[%add3A_286] : memref<2048xf32, #tpu.memory_space<vmem>>[vector<16xi32>], vector<16xf32>,
            %gather3A_290 = arith.constant 0 : i32
            %gather3A_291 = tpu.memref_slice %arg16[%gather3A_290] : memref<2048xi32, #tpu.memory_space<vmem>> -> memref<2048xi32, #tpu.memory_space<vmem>>
            %gather3A_292 = tpu.vector_load_idx %gather3A_291[%add3A_286] : memref<2048xi32, #tpu.memory_space<vmem>>[vector<16xi32>], vector<16xi32>,
            %gather3A_293 = arith.constant 0 : i32
            %gather3A_294 = tpu.memref_slice %arg17[%gather3A_293] : memref<2048xf32, #tpu.memory_space<vmem>> -> memref<2048xf32, #tpu.memory_space<vmem>>
            %gather3A_295 = tpu.vector_load_idx %gather3A_294[%add3A_286] : memref<2048xf32, #tpu.memory_space<vmem>>[vector<16xi32>], vector<16xf32>,
            %lt3A_296 = arith.cmpf olt, %select_n3A_274, %gather3A_289 : vector<16xf32>
            %select_n3A_297 = arith.select %lt3A_296, %select_n3A_274, %gather3A_289 : vector<16xi1>, vector<16xf32>
            %select_n3A_298 = arith.select %lt3A_296, %gather3A_289, %select_n3A_274 : vector<16xi1>, vector<16xf32>
            %select_n3A_299 = arith.select %lt3A_296, %select_n3A_276, %gather3A_292 : vector<16xi1>, vector<16xi32>
            %select_n3A_300 = arith.select %lt3A_296, %gather3A_292, %select_n3A_276 : vector<16xi1>, vector<16xi32>
            %select_n3A_301 = arith.select %lt3A_296, %select_n3A_278, %gather3A_295 : vector<16xi1>, vector<16xf32>
            %select_n3A_302 = arith.select %lt3A_296, %gather3A_295, %select_n3A_278 : vector<16xi1>, vector<16xf32>
            %scatter3A_303 = arith.constant 0 : i32
            %scatter3A_304 = tpu.memref_slice %arg15[%scatter3A_303] : memref<2048xf32, #tpu.memory_space<vmem>> -> memref<2048xf32, #tpu.memory_space<vmem>>
            tpu.vector_store_idx %scatter3A_304[%add3A_286], %select_n3A_297 masked %and3A_241 : memref<2048xf32, #tpu.memory_space<vmem>>[vector<16xi32>], vector<16xf32>, vector<16xi1>
            %scatter3A_305 = arith.constant 0 : i32
            %scatter3A_306 = tpu.memref_slice %arg16[%scatter3A_305] : memref<2048xi32, #tpu.memory_space<vmem>> -> memref<2048xi32, #tpu.memory_space<vmem>>
            tpu.vector_store_idx %scatter3A_306[%add3A_286], %select_n3A_299 masked %and3A_241 : memref<2048xi32, #tpu.memory_space<vmem>>[vector<16xi32>], vector<16xi32>, vector<16xi1>
            %scatter3A_307 = arith.constant 0 : i32
            %scatter3A_308 = tpu.memref_slice %arg17[%scatter3A_307] : memref<2048xf32, #tpu.memory_space<vmem>> -> memref<2048xf32, #tpu.memory_space<vmem>>
            tpu.vector_store_idx %scatter3A_308[%add3A_286], %select_n3A_301 masked %and3A_241 : memref<2048xf32, #tpu.memory_space<vmem>>[vector<16xi32>], vector<16xf32>, vector<16xi1>
            %add3A_309 = arith.constant 2 : i32
            %add3A_310 = vector.broadcast %add3A_309 : i32 to vector<16xi32>
            %add3A_311 = arith.addi %select_n3A_259, %add3A_310 : vector<16xi32>
            %gather3A_312 = arith.constant 0 : i32
            %gather3A_313 = tpu.memref_slice %arg15[%gather3A_312] : memref<2048xf32, #tpu.memory_space<vmem>> -> memref<2048xf32, #tpu.memory_space<vmem>>
            %gather3A_314 = tpu.vector_load_idx %gather3A_313[%add3A_311] : memref<2048xf32, #tpu.memory_space<vmem>>[vector<16xi32>], vector<16xf32>,
            %gather3A_315 = arith.constant 0 : i32
            %gather3A_316 = tpu.memref_slice %arg16[%gather3A_315] : memref<2048xi32, #tpu.memory_space<vmem>> -> memref<2048xi32, #tpu.memory_space<vmem>>
            %gather3A_317 = tpu.vector_load_idx %gather3A_316[%add3A_311] : memref<2048xi32, #tpu.memory_space<vmem>>[vector<16xi32>], vector<16xi32>,
            %gather3A_318 = arith.constant 0 : i32
            %gather3A_319 = tpu.memref_slice %arg17[%gather3A_318] : memref<2048xf32, #tpu.memory_space<vmem>> -> memref<2048xf32, #tpu.memory_space<vmem>>
            %gather3A_320 = tpu.vector_load_idx %gather3A_319[%add3A_311] : memref<2048xf32, #tpu.memory_space<vmem>>[vector<16xi32>], vector<16xf32>,
            %lt3A_321 = arith.cmpf olt, %select_n3A_298, %gather3A_314 : vector<16xf32>
            %select_n3A_322 = arith.select %lt3A_321, %select_n3A_298, %gather3A_314 : vector<16xi1>, vector<16xf32>
            %select_n3A_323 = arith.select %lt3A_321, %gather3A_314, %select_n3A_298 : vector<16xi1>, vector<16xf32>
            %select_n3A_324 = arith.select %lt3A_321, %select_n3A_300, %gather3A_317 : vector<16xi1>, vector<16xi32>
            %select_n3A_325 = arith.select %lt3A_321, %gather3A_317, %select_n3A_300 : vector<16xi1>, vector<16xi32>
            %select_n3A_326 = arith.select %lt3A_321, %select_n3A_302, %gather3A_320 : vector<16xi1>, vector<16xf32>
            %select_n3A_327 = arith.select %lt3A_321, %gather3A_320, %select_n3A_302 : vector<16xi1>, vector<16xf32>
            %scatter3A_328 = arith.constant 0 : i32
            %scatter3A_329 = tpu.memref_slice %arg15[%scatter3A_328] : memref<2048xf32, #tpu.memory_space<vmem>> -> memref<2048xf32, #tpu.memory_space<vmem>>
            tpu.vector_store_idx %scatter3A_329[%add3A_311], %select_n3A_322 masked %and3A_241 : memref<2048xf32, #tpu.memory_space<vmem>>[vector<16xi32>], vector<16xf32>, vector<16xi1>
            %scatter3A_330 = arith.constant 0 : i32
            %scatter3A_331 = tpu.memref_slice %arg16[%scatter3A_330] : memref<2048xi32, #tpu.memory_space<vmem>> -> memref<2048xi32, #tpu.memory_space<vmem>>
            tpu.vector_store_idx %scatter3A_331[%add3A_311], %select_n3A_324 masked %and3A_241 : memref<2048xi32, #tpu.memory_space<vmem>>[vector<16xi32>], vector<16xi32>, vector<16xi1>
            %scatter3A_332 = arith.constant 0 : i32
            %scatter3A_333 = tpu.memref_slice %arg17[%scatter3A_332] : memref<2048xf32, #tpu.memory_space<vmem>> -> memref<2048xf32, #tpu.memory_space<vmem>>
            tpu.vector_store_idx %scatter3A_333[%add3A_311], %select_n3A_326 masked %and3A_241 : memref<2048xf32, #tpu.memory_space<vmem>>[vector<16xi32>], vector<16xf32>, vector<16xi1>
            %add3A_334 = arith.constant 3 : i32
            %add3A_335 = vector.broadcast %add3A_334 : i32 to vector<16xi32>
            %add3A_336 = arith.addi %select_n3A_259, %add3A_335 : vector<16xi32>
            %gather3A_337 = arith.constant 0 : i32
            %gather3A_338 = tpu.memref_slice %arg15[%gather3A_337] : memref<2048xf32, #tpu.memory_space<vmem>> -> memref<2048xf32, #tpu.memory_space<vmem>>
            %gather3A_339 = tpu.vector_load_idx %gather3A_338[%add3A_336] : memref<2048xf32, #tpu.memory_space<vmem>>[vector<16xi32>], vector<16xf32>,
            %gather3A_340 = arith.constant 0 : i32
            %gather3A_341 = tpu.memref_slice %arg16[%gather3A_340] : memref<2048xi32, #tpu.memory_space<vmem>> -> memref<2048xi32, #tpu.memory_space<vmem>>
            %gather3A_342 = tpu.vector_load_idx %gather3A_341[%add3A_336] : memref<2048xi32, #tpu.memory_space<vmem>>[vector<16xi32>], vector<16xi32>,
            %gather3A_343 = arith.constant 0 : i32
            %gather3A_344 = tpu.memref_slice %arg17[%gather3A_343] : memref<2048xf32, #tpu.memory_space<vmem>> -> memref<2048xf32, #tpu.memory_space<vmem>>
            %gather3A_345 = tpu.vector_load_idx %gather3A_344[%add3A_336] : memref<2048xf32, #tpu.memory_space<vmem>>[vector<16xi32>], vector<16xf32>,
            %lt3A_346 = arith.cmpf olt, %select_n3A_323, %gather3A_339 : vector<16xf32>
            %select_n3A_347 = arith.select %lt3A_346, %select_n3A_323, %gather3A_339 : vector<16xi1>, vector<16xf32>
            %select_n3A_348 = arith.select %lt3A_346, %gather3A_339, %select_n3A_323 : vector<16xi1>, vector<16xf32>
            %select_n3A_349 = arith.select %lt3A_346, %select_n3A_325, %gather3A_342 : vector<16xi1>, vector<16xi32>
            %select_n3A_350 = arith.select %lt3A_346, %gather3A_342, %select_n3A_325 : vector<16xi1>, vector<16xi32>
            %select_n3A_351 = arith.select %lt3A_346, %select_n3A_327, %gather3A_345 : vector<16xi1>, vector<16xf32>
            %select_n3A_352 = arith.select %lt3A_346, %gather3A_345, %select_n3A_327 : vector<16xi1>, vector<16xf32>
            %scatter3A_353 = arith.constant 0 : i32
            %scatter3A_354 = tpu.memref_slice %arg15[%scatter3A_353] : memref<2048xf32, #tpu.memory_space<vmem>> -> memref<2048xf32, #tpu.memory_space<vmem>>
            tpu.vector_store_idx %scatter3A_354[%add3A_336], %select_n3A_347 masked %and3A_241 : memref<2048xf32, #tpu.memory_space<vmem>>[vector<16xi32>], vector<16xf32>, vector<16xi1>
            %scatter3A_355 = arith.constant 0 : i32
            %scatter3A_356 = tpu.memref_slice %arg16[%scatter3A_355] : memref<2048xi32, #tpu.memory_space<vmem>> -> memref<2048xi32, #tpu.memory_space<vmem>>
            tpu.vector_store_idx %scatter3A_356[%add3A_336], %select_n3A_349 masked %and3A_241 : memref<2048xi32, #tpu.memory_space<vmem>>[vector<16xi32>], vector<16xi32>, vector<16xi1>
            %scatter3A_357 = arith.constant 0 : i32
            %scatter3A_358 = tpu.memref_slice %arg17[%scatter3A_357] : memref<2048xf32, #tpu.memory_space<vmem>> -> memref<2048xf32, #tpu.memory_space<vmem>>
            tpu.vector_store_idx %scatter3A_358[%add3A_336], %select_n3A_351 masked %and3A_241 : memref<2048xf32, #tpu.memory_space<vmem>>[vector<16xi32>], vector<16xf32>, vector<16xi1>
            %add3A_359 = arith.constant 4 : i32
            %add3A_360 = vector.broadcast %add3A_359 : i32 to vector<16xi32>
            %add3A_361 = arith.addi %select_n3A_259, %add3A_360 : vector<16xi32>
            %gather3A_362 = arith.constant 0 : i32
            %gather3A_363 = tpu.memref_slice %arg15[%gather3A_362] : memref<2048xf32, #tpu.memory_space<vmem>> -> memref<2048xf32, #tpu.memory_space<vmem>>
            %gather3A_364 = tpu.vector_load_idx %gather3A_363[%add3A_361] : memref<2048xf32, #tpu.memory_space<vmem>>[vector<16xi32>], vector<16xf32>,
            %gather3A_365 = arith.constant 0 : i32
            %gather3A_366 = tpu.memref_slice %arg16[%gather3A_365] : memref<2048xi32, #tpu.memory_space<vmem>> -> memref<2048xi32, #tpu.memory_space<vmem>>
            %gather3A_367 = tpu.vector_load_idx %gather3A_366[%add3A_361] : memref<2048xi32, #tpu.memory_space<vmem>>[vector<16xi32>], vector<16xi32>,
            %gather3A_368 = arith.constant 0 : i32
            %gather3A_369 = tpu.memref_slice %arg17[%gather3A_368] : memref<2048xf32, #tpu.memory_space<vmem>> -> memref<2048xf32, #tpu.memory_space<vmem>>
            %gather3A_370 = tpu.vector_load_idx %gather3A_369[%add3A_361] : memref<2048xf32, #tpu.memory_space<vmem>>[vector<16xi32>], vector<16xf32>,
            %lt3A_371 = arith.cmpf olt, %select_n3A_348, %gather3A_364 : vector<16xf32>
            %select_n3A_372 = arith.select %lt3A_371, %select_n3A_348, %gather3A_364 : vector<16xi1>, vector<16xf32>
            %select_n3A_373 = arith.select %lt3A_371, %gather3A_364, %select_n3A_348 : vector<16xi1>, vector<16xf32>
            %select_n3A_374 = arith.select %lt3A_371, %select_n3A_350, %gather3A_367 : vector<16xi1>, vector<16xi32>
            %select_n3A_375 = arith.select %lt3A_371, %gather3A_367, %select_n3A_350 : vector<16xi1>, vector<16xi32>
            %select_n3A_376 = arith.select %lt3A_371, %select_n3A_352, %gather3A_370 : vector<16xi1>, vector<16xf32>
            %select_n3A_377 = arith.select %lt3A_371, %gather3A_370, %select_n3A_352 : vector<16xi1>, vector<16xf32>
            %scatter3A_378 = arith.constant 0 : i32
            %scatter3A_379 = tpu.memref_slice %arg15[%scatter3A_378] : memref<2048xf32, #tpu.memory_space<vmem>> -> memref<2048xf32, #tpu.memory_space<vmem>>
            tpu.vector_store_idx %scatter3A_379[%add3A_361], %select_n3A_372 masked %and3A_241 : memref<2048xf32, #tpu.memory_space<vmem>>[vector<16xi32>], vector<16xf32>, vector<16xi1>
            %scatter3A_380 = arith.constant 0 : i32
            %scatter3A_381 = tpu.memref_slice %arg16[%scatter3A_380] : memref<2048xi32, #tpu.memory_space<vmem>> -> memref<2048xi32, #tpu.memory_space<vmem>>
            tpu.vector_store_idx %scatter3A_381[%add3A_361], %select_n3A_374 masked %and3A_241 : memref<2048xi32, #tpu.memory_space<vmem>>[vector<16xi32>], vector<16xi32>, vector<16xi1>
            %scatter3A_382 = arith.constant 0 : i32
            %scatter3A_383 = tpu.memref_slice %arg17[%scatter3A_382] : memref<2048xf32, #tpu.memory_space<vmem>> -> memref<2048xf32, #tpu.memory_space<vmem>>
            tpu.vector_store_idx %scatter3A_383[%add3A_361], %select_n3A_376 masked %and3A_241 : memref<2048xf32, #tpu.memory_space<vmem>>[vector<16xi32>], vector<16xf32>, vector<16xi1>
            %add3A_384 = arith.constant 5 : i32
            %add3A_385 = vector.broadcast %add3A_384 : i32 to vector<16xi32>
            %add3A_386 = arith.addi %select_n3A_259, %add3A_385 : vector<16xi32>
            %gather3A_387 = arith.constant 0 : i32
            %gather3A_388 = tpu.memref_slice %arg15[%gather3A_387] : memref<2048xf32, #tpu.memory_space<vmem>> -> memref<2048xf32, #tpu.memory_space<vmem>>
            %gather3A_389 = tpu.vector_load_idx %gather3A_388[%add3A_386] : memref<2048xf32, #tpu.memory_space<vmem>>[vector<16xi32>], vector<16xf32>,
            %gather3A_390 = arith.constant 0 : i32
            %gather3A_391 = tpu.memref_slice %arg16[%gather3A_390] : memref<2048xi32, #tpu.memory_space<vmem>> -> memref<2048xi32, #tpu.memory_space<vmem>>
            %gather3A_392 = tpu.vector_load_idx %gather3A_391[%add3A_386] : memref<2048xi32, #tpu.memory_space<vmem>>[vector<16xi32>], vector<16xi32>,
            %gather3A_393 = arith.constant 0 : i32
            %gather3A_394 = tpu.memref_slice %arg17[%gather3A_393] : memref<2048xf32, #tpu.memory_space<vmem>> -> memref<2048xf32, #tpu.memory_space<vmem>>
            %gather3A_395 = tpu.vector_load_idx %gather3A_394[%add3A_386] : memref<2048xf32, #tpu.memory_space<vmem>>[vector<16xi32>], vector<16xf32>,
            %lt3A_396 = arith.cmpf olt, %select_n3A_373, %gather3A_389 : vector<16xf32>
            %select_n3A_397 = arith.select %lt3A_396, %select_n3A_373, %gather3A_389 : vector<16xi1>, vector<16xf32>
            %select_n3A_398 = arith.select %lt3A_396, %gather3A_389, %select_n3A_373 : vector<16xi1>, vector<16xf32>
            %select_n3A_399 = arith.select %lt3A_396, %select_n3A_375, %gather3A_392 : vector<16xi1>, vector<16xi32>
            %select_n3A_400 = arith.select %lt3A_396, %gather3A_392, %select_n3A_375 : vector<16xi1>, vector<16xi32>
            %select_n3A_401 = arith.select %lt3A_396, %select_n3A_377, %gather3A_395 : vector<16xi1>, vector<16xf32>
            %select_n3A_402 = arith.select %lt3A_396, %gather3A_395, %select_n3A_377 : vector<16xi1>, vector<16xf32>
            %scatter3A_403 = arith.constant 0 : i32
            %scatter3A_404 = tpu.memref_slice %arg15[%scatter3A_403] : memref<2048xf32, #tpu.memory_space<vmem>> -> memref<2048xf32, #tpu.memory_space<vmem>>
            tpu.vector_store_idx %scatter3A_404[%add3A_386], %select_n3A_397 masked %and3A_241 : memref<2048xf32, #tpu.memory_space<vmem>>[vector<16xi32>], vector<16xf32>, vector<16xi1>
            %scatter3A_405 = arith.constant 0 : i32
            %scatter3A_406 = tpu.memref_slice %arg16[%scatter3A_405] : memref<2048xi32, #tpu.memory_space<vmem>> -> memref<2048xi32, #tpu.memory_space<vmem>>
            tpu.vector_store_idx %scatter3A_406[%add3A_386], %select_n3A_399 masked %and3A_241 : memref<2048xi32, #tpu.memory_space<vmem>>[vector<16xi32>], vector<16xi32>, vector<16xi1>
            %scatter3A_407 = arith.constant 0 : i32
            %scatter3A_408 = tpu.memref_slice %arg17[%scatter3A_407] : memref<2048xf32, #tpu.memory_space<vmem>> -> memref<2048xf32, #tpu.memory_space<vmem>>
            tpu.vector_store_idx %scatter3A_408[%add3A_386], %select_n3A_401 masked %and3A_241 : memref<2048xf32, #tpu.memory_space<vmem>>[vector<16xi32>], vector<16xf32>, vector<16xi1>
            %add3A_409 = arith.constant 6 : i32
            %add3A_410 = vector.broadcast %add3A_409 : i32 to vector<16xi32>
            %add3A_411 = arith.addi %select_n3A_259, %add3A_410 : vector<16xi32>
            %gather3A_412 = arith.constant 0 : i32
            %gather3A_413 = tpu.memref_slice %arg15[%gather3A_412] : memref<2048xf32, #tpu.memory_space<vmem>> -> memref<2048xf32, #tpu.memory_space<vmem>>
            %gather3A_414 = tpu.vector_load_idx %gather3A_413[%add3A_411] : memref<2048xf32, #tpu.memory_space<vmem>>[vector<16xi32>], vector<16xf32>,
            %gather3A_415 = arith.constant 0 : i32
            %gather3A_416 = tpu.memref_slice %arg16[%gather3A_415] : memref<2048xi32, #tpu.memory_space<vmem>> -> memref<2048xi32, #tpu.memory_space<vmem>>
            %gather3A_417 = tpu.vector_load_idx %gather3A_416[%add3A_411] : memref<2048xi32, #tpu.memory_space<vmem>>[vector<16xi32>], vector<16xi32>,
            %gather3A_418 = arith.constant 0 : i32
            %gather3A_419 = tpu.memref_slice %arg17[%gather3A_418] : memref<2048xf32, #tpu.memory_space<vmem>> -> memref<2048xf32, #tpu.memory_space<vmem>>
            %gather3A_420 = tpu.vector_load_idx %gather3A_419[%add3A_411] : memref<2048xf32, #tpu.memory_space<vmem>>[vector<16xi32>], vector<16xf32>,
            %lt3A_421 = arith.cmpf olt, %select_n3A_398, %gather3A_414 : vector<16xf32>
            %select_n3A_422 = arith.select %lt3A_421, %select_n3A_398, %gather3A_414 : vector<16xi1>, vector<16xf32>
            %select_n3A_423 = arith.select %lt3A_421, %gather3A_414, %select_n3A_398 : vector<16xi1>, vector<16xf32>
            %select_n3A_424 = arith.select %lt3A_421, %select_n3A_400, %gather3A_417 : vector<16xi1>, vector<16xi32>
            %select_n3A_425 = arith.select %lt3A_421, %gather3A_417, %select_n3A_400 : vector<16xi1>, vector<16xi32>
            %select_n3A_426 = arith.select %lt3A_421, %select_n3A_402, %gather3A_420 : vector<16xi1>, vector<16xf32>
            %select_n3A_427 = arith.select %lt3A_421, %gather3A_420, %select_n3A_402 : vector<16xi1>, vector<16xf32>
            %scatter3A_428 = arith.constant 0 : i32
            %scatter3A_429 = tpu.memref_slice %arg15[%scatter3A_428] : memref<2048xf32, #tpu.memory_space<vmem>> -> memref<2048xf32, #tpu.memory_space<vmem>>
            tpu.vector_store_idx %scatter3A_429[%add3A_411], %select_n3A_422 masked %and3A_241 : memref<2048xf32, #tpu.memory_space<vmem>>[vector<16xi32>], vector<16xf32>, vector<16xi1>
            %scatter3A_430 = arith.constant 0 : i32
            %scatter3A_431 = tpu.memref_slice %arg16[%scatter3A_430] : memref<2048xi32, #tpu.memory_space<vmem>> -> memref<2048xi32, #tpu.memory_space<vmem>>
            tpu.vector_store_idx %scatter3A_431[%add3A_411], %select_n3A_424 masked %and3A_241 : memref<2048xi32, #tpu.memory_space<vmem>>[vector<16xi32>], vector<16xi32>, vector<16xi1>
            %scatter3A_432 = arith.constant 0 : i32
            %scatter3A_433 = tpu.memref_slice %arg17[%scatter3A_432] : memref<2048xf32, #tpu.memory_space<vmem>> -> memref<2048xf32, #tpu.memory_space<vmem>>
            tpu.vector_store_idx %scatter3A_433[%add3A_411], %select_n3A_426 masked %and3A_241 : memref<2048xf32, #tpu.memory_space<vmem>>[vector<16xi32>], vector<16xf32>, vector<16xi1>
            %add3A_434 = arith.constant 7 : i32
            %add3A_435 = vector.broadcast %add3A_434 : i32 to vector<16xi32>
            %add3A_436 = arith.addi %select_n3A_259, %add3A_435 : vector<16xi32>
            %gather3A_437 = arith.constant 0 : i32
            %gather3A_438 = tpu.memref_slice %arg15[%gather3A_437] : memref<2048xf32, #tpu.memory_space<vmem>> -> memref<2048xf32, #tpu.memory_space<vmem>>
            %gather3A_439 = tpu.vector_load_idx %gather3A_438[%add3A_436] : memref<2048xf32, #tpu.memory_space<vmem>>[vector<16xi32>], vector<16xf32>,
            %gather3A_440 = arith.constant 0 : i32
            %gather3A_441 = tpu.memref_slice %arg16[%gather3A_440] : memref<2048xi32, #tpu.memory_space<vmem>> -> memref<2048xi32, #tpu.memory_space<vmem>>
            %gather3A_442 = tpu.vector_load_idx %gather3A_441[%add3A_436] : memref<2048xi32, #tpu.memory_space<vmem>>[vector<16xi32>], vector<16xi32>,
            %gather3A_443 = arith.constant 0 : i32
            %gather3A_444 = tpu.memref_slice %arg17[%gather3A_443] : memref<2048xf32, #tpu.memory_space<vmem>> -> memref<2048xf32, #tpu.memory_space<vmem>>
            %gather3A_445 = tpu.vector_load_idx %gather3A_444[%add3A_436] : memref<2048xf32, #tpu.memory_space<vmem>>[vector<16xi32>], vector<16xf32>,
            %lt3A_446 = arith.cmpf olt, %select_n3A_423, %gather3A_439 : vector<16xf32>
            %select_n3A_447 = arith.select %lt3A_446, %select_n3A_423, %gather3A_439 : vector<16xi1>, vector<16xf32>
            %select_n3A_448 = arith.select %lt3A_446, %gather3A_439, %select_n3A_423 : vector<16xi1>, vector<16xf32>
            %select_n3A_449 = arith.select %lt3A_446, %select_n3A_425, %gather3A_442 : vector<16xi1>, vector<16xi32>
            %select_n3A_450 = arith.select %lt3A_446, %gather3A_442, %select_n3A_425 : vector<16xi1>, vector<16xi32>
            %select_n3A_451 = arith.select %lt3A_446, %select_n3A_427, %gather3A_445 : vector<16xi1>, vector<16xf32>
            %select_n3A_452 = arith.select %lt3A_446, %gather3A_445, %select_n3A_427 : vector<16xi1>, vector<16xf32>
            %scatter3A_453 = arith.constant 0 : i32
            %scatter3A_454 = tpu.memref_slice %arg15[%scatter3A_453] : memref<2048xf32, #tpu.memory_space<vmem>> -> memref<2048xf32, #tpu.memory_space<vmem>>
            tpu.vector_store_idx %scatter3A_454[%add3A_436], %select_n3A_447 masked %and3A_241 : memref<2048xf32, #tpu.memory_space<vmem>>[vector<16xi32>], vector<16xf32>, vector<16xi1>
            %scatter3A_455 = arith.constant 0 : i32
            %scatter3A_456 = tpu.memref_slice %arg16[%scatter3A_455] : memref<2048xi32, #tpu.memory_space<vmem>> -> memref<2048xi32, #tpu.memory_space<vmem>>
            tpu.vector_store_idx %scatter3A_456[%add3A_436], %select_n3A_449 masked %and3A_241 : memref<2048xi32, #tpu.memory_space<vmem>>[vector<16xi32>], vector<16xi32>, vector<16xi1>
            %scatter3A_457 = arith.constant 0 : i32
            %scatter3A_458 = tpu.memref_slice %arg17[%scatter3A_457] : memref<2048xf32, #tpu.memory_space<vmem>> -> memref<2048xf32, #tpu.memory_space<vmem>>
            tpu.vector_store_idx %scatter3A_458[%add3A_436], %select_n3A_451 masked %and3A_241 : memref<2048xf32, #tpu.memory_space<vmem>>[vector<16xi32>], vector<16xf32>, vector<16xi1>
          } else {
          }
        }
      } else {
      }
    }
    %scan3A_68 = arith.constant 125 : i32
    %and3A_69 = arith.constant 7 : i32
    %and3A_70 = vector.broadcast %and3A_69 : i32 to vector<16xi32>
    %and3A_71 = arith.andi %iota3A, %and3A_70 : vector<16xi32>
    %scan3A_72 = arith.constant 0 : i32
    %scan3A_73 = arith.constant 0 : i32
    %scan3A_74 = arith.constant 128 : i32
    %scan3A_75 = arith.addi %scan3A_73, %scan3A_74 : i32
    %scan3A_76 = arith.constant 1 : i32
    scf.for %scan3A_126 = %scan3A_73 to %scan3A_75 step %scan3A_76  : i32 {
      %mul3A_127 = arith.constant 16 : i32
      %mul3A_128 = arith.muli %scan3A_126, %mul3A_127 : i32
      %get3A = arith.index_cast %mul3A_128 : i32 to index
      %get3A_129 = tpu.vector_load %arg15[%get3A] {strides = array<i32>} : memref<2048xf32, #tpu.memory_space<vmem>>, vector<16xf32>,
      %ge3A = arith.constant 3.000000e+38 : f32
      %ge3A_130 = vector.broadcast %ge3A : f32 to vector<16xf32>
      %ge3A_131 = arith.cmpf oge, %get3A_129, %ge3A_130 : vector<16xf32>
      %mul3A_132 = arith.constant 16 : i32
      %mul3A_133 = arith.muli %scan3A_126, %mul3A_132 : i32
      %add3A_134 = vector.broadcast %mul3A_133 : i32 to vector<16xi32>
      %add3A_135 = arith.addi %add3A_134, %iota3A : vector<16xi32>
      %shift_right_arithmetic3A_136 = arith.constant 3 : i32
      %shift_right_arithmetic3A_137 = vector.broadcast %shift_right_arithmetic3A_136 : i32 to vector<16xi32>
      %shift_right_arithmetic3A_138 = arith.shrsi %add3A_135, %shift_right_arithmetic3A_137 : vector<16xi32>
      %shift_right_arithmetic3A_139 = arith.constant 6 : i32
      %shift_right_arithmetic3A_140 = vector.broadcast %shift_right_arithmetic3A_139 : i32 to vector<16xi32>
      %shift_right_arithmetic3A_141 = arith.shrsi %shift_right_arithmetic3A_138, %shift_right_arithmetic3A_140 : vector<16xi32>
      %and3A_142 = arith.constant 63 : i32
      %and3A_143 = vector.broadcast %and3A_142 : i32 to vector<16xi32>
      %and3A_144 = arith.andi %shift_right_arithmetic3A_138, %and3A_143 : vector<16xi32>
      %jit3A = arith.constant -1.000000e+00 : f32
      %broadcast_in_dim3A_145 = vector.broadcast %jit3A : f32 to vector<16xf32>
      %select_n3A = arith.select %ge3A_131, %broadcast_in_dim3A_145, %get3A_129 : vector<16xi1>, vector<16xf32>
      %scatter3A = arith.constant 0 : i32
      %scatter3A_146 = arith.constant 0 : i32
      %scatter3A_147 = arith.constant 0 : i32
      %scatter3A_148 = tpu.memref_slice %arg18[%scatter3A, %scatter3A_146, %scatter3A_147] : memref<4x64x8xf32, #tpu.memory_space<vmem>> -> memref<4x64x8xf32, #tpu.memory_space<vmem>>
      tpu.vector_store_idx %scatter3A_148[%shift_right_arithmetic3A_141, %and3A_144, %and3A_71], %select_n3A : memref<4x64x8xf32, #tpu.memory_space<vmem>>[vector<16xi32>, vector<16xi32>, vector<16xi32>], vector<16xf32>,
      %get3A_149 = arith.index_cast %mul3A_128 : i32 to index
      %get3A_150 = tpu.vector_load %arg16[%get3A_149] {strides = array<i32>} : memref<2048xi32, #tpu.memory_space<vmem>>, vector<16xi32>,
      %jit3A_151 = arith.constant -1 : i32
      %broadcast_in_dim3A_152 = vector.broadcast %jit3A_151 : i32 to vector<16xi32>
      %select_n3A_153 = arith.select %ge3A_131, %broadcast_in_dim3A_152, %get3A_150 : vector<16xi1>, vector<16xi32>
      %scatter3A_154 = arith.constant 0 : i32
      %scatter3A_155 = arith.constant 0 : i32
      %scatter3A_156 = arith.constant 0 : i32
      %scatter3A_157 = tpu.memref_slice %arg19[%scatter3A_154, %scatter3A_155, %scatter3A_156] : memref<4x64x8xi32, #tpu.memory_space<vmem>> -> memref<4x64x8xi32, #tpu.memory_space<vmem>>
      tpu.vector_store_idx %scatter3A_157[%shift_right_arithmetic3A_141, %and3A_144, %and3A_71], %select_n3A_153 : memref<4x64x8xi32, #tpu.memory_space<vmem>>[vector<16xi32>, vector<16xi32>, vector<16xi32>], vector<16xi32>,
      %get3A_158 = arith.index_cast %mul3A_128 : i32 to index
      %get3A_159 = tpu.vector_load %arg17[%get3A_158] {strides = array<i32>} : memref<2048xf32, #tpu.memory_space<vmem>>, vector<16xf32>,
      %jit3A_160 = arith.constant -1.000000e+00 : f32
      %broadcast_in_dim3A_161 = vector.broadcast %jit3A_160 : f32 to vector<16xf32>
      %select_n3A_162 = arith.select %ge3A_131, %broadcast_in_dim3A_161, %get3A_159 : vector<16xi1>, vector<16xf32>
      %scatter3A_163 = arith.constant 0 : i32
      %scatter3A_164 = arith.constant 0 : i32
      %scatter3A_165 = arith.constant 0 : i32
      %scatter3A_166 = tpu.memref_slice %arg20[%scatter3A_163, %scatter3A_164, %scatter3A_165] : memref<4x64x8xf32, #tpu.memory_space<vmem>> -> memref<4x64x8xf32, #tpu.memory_space<vmem>>
      tpu.vector_store_idx %scatter3A_166[%shift_right_arithmetic3A_141, %and3A_144, %and3A_71], %select_n3A_162 : memref<4x64x8xf32, #tpu.memory_space<vmem>>[vector<16xi32>, vector<16xi32>, vector<16xi32>], vector<16xf32>,
    }
    %scan3A_77 = arith.constant 128 : i32
    %dma_start3A_78 = arith.constant 0 : i32
    %dma_start3A_79 = arith.constant 0 : i32
    %dma_start3A_80 = tpu.memref_slice %arg3[%and3A_0, %mul3A_4, %dma_start3A_78, %dma_start3A_79] : memref<2x64x64x8xi32, #tpu.memory_space<hbm>> -> memref<1x4x64x8xi32, #tpu.memory_space<hbm>>
    %dma_start3A_81 = tpu.memref_squeeze %dma_start3A_80 : memref<1x4x64x8xi32, #tpu.memory_space<hbm>> -> memref<4x64x8xi32, #tpu.memory_space<hbm>>
    %dma_start3A_82 = arith.constant 0 : i32
    %dma_start3A_83 = arith.constant 0 : i32
    %dma_start3A_84 = tpu.memref_slice %arg3[%and3A_0, %mul3A_4, %dma_start3A_82, %dma_start3A_83] : memref<2x64x64x8xi32, #tpu.memory_space<hbm>> -> memref<1x4x64x8xi32, #tpu.memory_space<hbm>>
    %dma_start3A_85 = tpu.memref_squeeze %dma_start3A_84 : memref<1x4x64x8xi32, #tpu.memory_space<hbm>> -> memref<4x64x8xi32, #tpu.memory_space<hbm>>
    tpu.enqueue_dma source(%arg19 : memref<4x64x8xi32, #tpu.memory_space<vmem>>) target(%dma_start3A_85 : memref<4x64x8xi32, #tpu.memory_space<hbm>>) target_semaphore(%arg8 : memref<!tpu.dma_semaphore, #tpu.memory_space<semaphore_mem>>)
    %dma_start3A_86 = arith.constant 0 : i32
    %dma_start3A_87 = arith.constant 0 : i32
    %dma_start3A_88 = tpu.memref_slice %arg4[%and3A_0, %mul3A_4, %dma_start3A_86, %dma_start3A_87] : memref<2x64x64x8xf32, #tpu.memory_space<hbm>> -> memref<1x4x64x8xf32, #tpu.memory_space<hbm>>
    %dma_start3A_89 = tpu.memref_squeeze %dma_start3A_88 : memref<1x4x64x8xf32, #tpu.memory_space<hbm>> -> memref<4x64x8xf32, #tpu.memory_space<hbm>>
    %dma_start3A_90 = arith.constant 0 : i32
    %dma_start3A_91 = arith.constant 0 : i32
    %dma_start3A_92 = tpu.memref_slice %arg4[%and3A_0, %mul3A_4, %dma_start3A_90, %dma_start3A_91] : memref<2x64x64x8xf32, #tpu.memory_space<hbm>> -> memref<1x4x64x8xf32, #tpu.memory_space<hbm>>
    %dma_start3A_93 = tpu.memref_squeeze %dma_start3A_92 : memref<1x4x64x8xf32, #tpu.memory_space<hbm>> -> memref<4x64x8xf32, #tpu.memory_space<hbm>>
    tpu.enqueue_dma source(%arg18 : memref<4x64x8xf32, #tpu.memory_space<vmem>>) target(%dma_start3A_93 : memref<4x64x8xf32, #tpu.memory_space<hbm>>) target_semaphore(%arg9 : memref<!tpu.dma_semaphore, #tpu.memory_space<semaphore_mem>>)
    %dma_start3A_94 = arith.constant 0 : i32
    %dma_start3A_95 = arith.constant 0 : i32
    %dma_start3A_96 = tpu.memref_slice %arg5[%and3A_0, %mul3A_4, %dma_start3A_94, %dma_start3A_95] : memref<2x64x64x8xf32, #tpu.memory_space<hbm>> -> memref<1x4x64x8xf32, #tpu.memory_space<hbm>>
    %dma_start3A_97 = tpu.memref_squeeze %dma_start3A_96 : memref<1x4x64x8xf32, #tpu.memory_space<hbm>> -> memref<4x64x8xf32, #tpu.memory_space<hbm>>
    %dma_start3A_98 = arith.constant 0 : i32
    %dma_start3A_99 = arith.constant 0 : i32
    %dma_start3A_100 = tpu.memref_slice %arg5[%and3A_0, %mul3A_4, %dma_start3A_98, %dma_start3A_99] : memref<2x64x64x8xf32, #tpu.memory_space<hbm>> -> memref<1x4x64x8xf32, #tpu.memory_space<hbm>>
    %dma_start3A_101 = tpu.memref_squeeze %dma_start3A_100 : memref<1x4x64x8xf32, #tpu.memory_space<hbm>> -> memref<4x64x8xf32, #tpu.memory_space<hbm>>
    tpu.enqueue_dma source(%arg20 : memref<4x64x8xf32, #tpu.memory_space<vmem>>) target(%dma_start3A_101 : memref<4x64x8xf32, #tpu.memory_space<hbm>>) target_semaphore(%arg10 : memref<!tpu.dma_semaphore, #tpu.memory_space<semaphore_mem>>)
    %dma_wait3A_102 = arith.constant 0 : i32
    %dma_wait3A_103 = arith.constant 0 : i32
    %dma_wait3A_104 = tpu.memref_slice %arg3[%and3A_0, %mul3A_4, %dma_wait3A_102, %dma_wait3A_103] : memref<2x64x64x8xi32, #tpu.memory_space<hbm>> -> memref<1x4x64x8xi32, #tpu.memory_space<hbm>>
    %dma_wait3A_105 = tpu.memref_squeeze %dma_wait3A_104 : memref<1x4x64x8xi32, #tpu.memory_space<hbm>> -> memref<4x64x8xi32, #tpu.memory_space<hbm>>
    %dma_wait3A_106 = arith.constant 0 : i32
    %dma_wait3A_107 = arith.constant 0 : i32
    %dma_wait3A_108 = tpu.memref_slice %arg3[%and3A_0, %mul3A_4, %dma_wait3A_106, %dma_wait3A_107] : memref<2x64x64x8xi32, #tpu.memory_space<hbm>> -> memref<1x4x64x8xi32, #tpu.memory_space<hbm>>
    %dma_wait3A_109 = tpu.memref_squeeze %dma_wait3A_108 : memref<1x4x64x8xi32, #tpu.memory_space<hbm>> -> memref<4x64x8xi32, #tpu.memory_space<hbm>>
    tpu.wait_dma2 semaphore(%arg8 : memref<!tpu.dma_semaphore, #tpu.memory_space<semaphore_mem>>) src(%arg19 : memref<4x64x8xi32, #tpu.memory_space<vmem>>) dst(%dma_wait3A_109 : memref<4x64x8xi32, #tpu.memory_space<hbm>>)
    %dma_wait3A_110 = arith.constant 0 : i32
    %dma_wait3A_111 = arith.constant 0 : i32
    %dma_wait3A_112 = tpu.memref_slice %arg4[%and3A_0, %mul3A_4, %dma_wait3A_110, %dma_wait3A_111] : memref<2x64x64x8xf32, #tpu.memory_space<hbm>> -> memref<1x4x64x8xf32, #tpu.memory_space<hbm>>
    %dma_wait3A_113 = tpu.memref_squeeze %dma_wait3A_112 : memref<1x4x64x8xf32, #tpu.memory_space<hbm>> -> memref<4x64x8xf32, #tpu.memory_space<hbm>>
    %dma_wait3A_114 = arith.constant 0 : i32
    %dma_wait3A_115 = arith.constant 0 : i32
    %dma_wait3A_116 = tpu.memref_slice %arg4[%and3A_0, %mul3A_4, %dma_wait3A_114, %dma_wait3A_115] : memref<2x64x64x8xf32, #tpu.memory_space<hbm>> -> memref<1x4x64x8xf32, #tpu.memory_space<hbm>>
    %dma_wait3A_117 = tpu.memref_squeeze %dma_wait3A_116 : memref<1x4x64x8xf32, #tpu.memory_space<hbm>> -> memref<4x64x8xf32, #tpu.memory_space<hbm>>
    tpu.wait_dma2 semaphore(%arg9 : memref<!tpu.dma_semaphore, #tpu.memory_space<semaphore_mem>>) src(%arg18 : memref<4x64x8xf32, #tpu.memory_space<vmem>>) dst(%dma_wait3A_117 : memref<4x64x8xf32, #tpu.memory_space<hbm>>)
    %dma_wait3A_118 = arith.constant 0 : i32
    %dma_wait3A_119 = arith.constant 0 : i32
    %dma_wait3A_120 = tpu.memref_slice %arg5[%and3A_0, %mul3A_4, %dma_wait3A_118, %dma_wait3A_119] : memref<2x64x64x8xf32, #tpu.memory_space<hbm>> -> memref<1x4x64x8xf32, #tpu.memory_space<hbm>>
    %dma_wait3A_121 = tpu.memref_squeeze %dma_wait3A_120 : memref<1x4x64x8xf32, #tpu.memory_space<hbm>> -> memref<4x64x8xf32, #tpu.memory_space<hbm>>
    %dma_wait3A_122 = arith.constant 0 : i32
    %dma_wait3A_123 = arith.constant 0 : i32
    %dma_wait3A_124 = tpu.memref_slice %arg5[%and3A_0, %mul3A_4, %dma_wait3A_122, %dma_wait3A_123] : memref<2x64x64x8xf32, #tpu.memory_space<hbm>> -> memref<1x4x64x8xf32, #tpu.memory_space<hbm>>
    %dma_wait3A_125 = tpu.memref_squeeze %dma_wait3A_124 : memref<1x4x64x8xf32, #tpu.memory_space<hbm>> -> memref<4x64x8xf32, #tpu.memory_space<hbm>>
    tpu.wait_dma2 semaphore(%arg10 : memref<!tpu.dma_semaphore, #tpu.memory_space<semaphore_mem>>) src(%arg20 : memref<4x64x8xf32, #tpu.memory_space<vmem>>) dst(%dma_wait3A_125 : memref<4x64x8xf32, #tpu.memory_space<hbm>>)
    return
  }
}

</mosaic_0001>

<sc_bundles>
// kernel: kernel.3.cloned.1.call-start
scs
__scs_entry_jumppad:
0x0: {  	(pc) =	sbr.rel $0x88, $3  }
0x1: {  	(tag) =	ssettag $0x0;
	lr =	simm.s32 $0x1  }
0x2: {  	[smem:$0x3F9E] =	sst lr;
	_ =	strace $0xD0000000  }
0x3: {  	_ = 	snop  }
0x4: {  	_ = 	snop  }
0x5: {  	_ = 	snop  }
0x6: {  	_ = 	snop  }
0x7: {  	_ = 	snop  }
__scs_overlays_trampoline_lowered:
0x8: {  	[smem:$0x3FAD] =	sst s0  }
0x9: {  	[smem:$0x3FAE] =	sst s1  }
0xa: {  	[smem:$0x3FAF] =	sst s2  }
0xb: {  	[smem:$0x3FB0] =	sst s3  }
0xc: {  	[smem:$0x3FB1] =	sst s4  }
0xd: {  	[smem:$0x3FB2] =	sst s5  }
0xe: {  	[smem:$0x3FB3] =	sst s6  }
0xf: {  	[smem:$0x3FB4] =	sst s7  }
0x10: {  	[smem:$0x3FB5] =	sst s8  }
0x11: {  	[smem:$0x3FB6] =	sst s9;
	s0 =	simm.s32 @!p0 $0x0  }
0x12: {  	s1 =	sld [smem:$0x3F9C];
	s0 =	simm.s32 @p0 $0x1  }
0x13: {  	[smem:$0x3FB7] =	sst s0;
	s0 =	simm.s32 @!p1 $0x0  }
0x14: {  	s2 =	sld [smem:$0x3F9B];
	s0 =	simm.s32 @p1 $0x1  }
0x15: {  	[smem:$0x3FB8] =	sst s0;
	s0 =	simm.s32 @!p2 $0x0  }
0x16: {  	s3 =	sld [smem:$0x3FDB];
	s0 =	simm.s32 @p2 $0x1  }
0x17: {  	s4 =	simm.s32 $0x1BF5;
	[smem:$0x3FBA] =	sst s0  }
0x18: {  	s0 =	sld [smem:$0x3F9D];
	_ =	swait.ge [sflag:s4], $0x0  }
0x19: {  	s7 =	sld [smem:$0x3F9E]  }
0x1a: {  	s8 =	sadd.s32 $0xFFFFE003, lr  }
0x1b: {  	s9 =	sadd.s32 $0xFFFFFEF7, lr;
	s5 =	simm.s32 $0xFFFFFFFF;
	p2 =	slt.u32 s8, $0xFFFFF086  }
0x1c: {  	p1 =	slt.u32 s9, $0xF7A;
	s5 =	simm.s32 @!p2 $0x0  }
0x1d: {  	s5 =	simm.s32 @p1 $0x1;
	p0 =	seq.s32 s7, s2  }
0x1e: {  	s7 =	smul.u32 @!p0 $0xF7A, s2;
	p2 =	seq.s32 @!p0 s5, $0x0  }
0x1f: {  	s9 =	smul.u32 $0xF7A, s1;
	s8 =	simm.s32 @!p0 $0x1BF5;
	p2 =	por !p2, p0  }
0x20: {  	[sflag:s8] =	ssyncset.s32 @!p0 $0xFFFFF086;
	s6 =	sadd.s32 @!p0 s3, s7;
	s7 =	simm.s32 @!p0 $0x108  }
0x21: {  	s3 =	sadd.s32 s3, s9;
	s6 =	sadd.s32 @!p0 $0x88, s6;
	s7 =	simm.s32 @p2 $0x1082  }
0x22: {  	[simem:s7], [sflag:s8] =	dma.local @!p0 [hbm:s6], $0xF7A  }
0x23: {  	s9 =	sor.u32 $0xD0000000, s2;
	s6 =	simm.s32 $0x108;
	_ =	swait.ge @!p0 [sflag:s8], $0x0  }
0x24: {  	s3 =	sadd.s32 $0x88, s3;
	s6 =	simm.s32 @!p1 $0x1082;
	[sflag:s4] =	ssyncset.s32 $0xFFFFF086  }
0x25: {  	[simem:s6], [sflag:s4] =	dma.local [hbm:s3], $0xF7A  }
0x26: {  	[smem:$0x3F9E] =	sst s1;
	(tag) =	ssettag s2;
	_ =	strace s9  }
0x27: {  	s1 =	sld [smem:$0x3FAE]  }
0x28: {  	s2 =	sld [smem:$0x3FAF]  }
0x29: {  	s4 =	sld [smem:$0x3FB1]  }
0x2a: {  	p0 =	seq.s32 s5, $0x0;
	s5 =	sld [smem:$0x3FB2]  }
0x2b: {  	s6 =	sld [smem:$0x3FB3]  }
0x2c: {  	s7 =	sld [smem:$0x3FB4]  }
0x2d: {  	s3 =	simm.s32 $0x108;
	s8 =	sld [smem:$0x3FB5]  }
0x2e: {  	s3 =	simm.s32 @!p0 $0x1082;
	s9 =	sld [smem:$0x3FB6]  }
0x2f: {  	lr =	sadd.s32 s0, s3;
	s0 =	sld [smem:$0x3FAD]  }
0x30: {  	s3 =	sld [smem:$0x3FB0]  }
0x31: {  	[smem:$0x3FB9] =	sst s10  }
0x32: {  	s10 =	sld [smem:$0x3FB7];
	_ =	sdelay $0x3  }
0x33: {  	p0 =	seq.s32 s10, $0x1;
	s10 =	sld [smem:$0x3FB9];
	_ =	sdelay $0x3  }
0x34: {  	[smem:$0x3FB9] =	sst s10  }
0x35: {  	s10 =	sld [smem:$0x3FB8];
	_ =	sdelay $0x3  }
0x36: {  	p1 =	seq.s32 s10, $0x1;
	s10 =	sld [smem:$0x3FB9];
	_ =	sdelay $0x3  }
0x37: {  	[smem:$0x3FB9] =	sst s10  }
0x38: {  	s10 =	sld [smem:$0x3FBA]  }
0x39: {  	_ = 	snop;
	(pc) =	sbr.ind lr, $3  }
0x3a: {  	_ = 	snop  }
0x3b: {  	_ = 	snop  }
0x3c: {  	p2 =	seq.s32 s10, $0x1;
	s10 =	sld [smem:$0x3FB9]  }
0x3d: {  	_ =	shalt  }
0x3e: {  	_ =	shalt  }
0x3f: {  	_ =	shalt  }
0x40: {  	_ =	shalt  }
0x41: {  	_ =	shalt  }
0x42: {  	_ =	shalt  }
0x43: {  	_ =	shalt  }
0x44: {  	_ =	shalt  }
0x45: {  	_ =	shalt  }
0x46: {  	_ =	shalt  }
0x47: {  	_ =	shalt  }
0x48: {  	_ =	shalt  }
0x49: {  	_ =	shalt  }
0x4a: {  	_ =	shalt  }
0x4b: {  	_ =	shalt  }
0x4c: {  	_ =	shalt  }
0x4d: {  	_ =	shalt  }
0x4e: {  	_ =	shalt  }
0x4f: {  	_ =	shalt  }
0x50: {  	_ =	shalt  }
0x51: {  	_ =	shalt  }
0x52: {  	_ =	shalt  }
0x53: {  	_ =	shalt  }
0x54: {  	_ =	shalt  }
0x55: {  	_ =	shalt  }
0x56: {  	_ =	shalt  }
0x57: {  	_ =	shalt  }
0x58: {  	_ =	shalt  }
0x59: {  	_ =	shalt  }
0x5a: {  	_ =	shalt  }
0x5b: {  	_ =	shalt  }
0x5c: {  	_ =	shalt  }
0x5d: {  	_ =	shalt  }
0x5e: {  	_ =	shalt  }
0x5f: {  	_ =	shalt  }
0x60: {  	_ =	shalt  }
0x61: {  	_ =	shalt  }
0x62: {  	_ =	shalt  }
0x63: {  	_ =	shalt  }
0x64: {  	_ =	shalt  }
0x65: {  	_ =	shalt  }
0x66: {  	_ =	shalt  }
0x67: {  	_ =	shalt  }
0x68: {  	_ =	shalt  }
0x69: {  	_ =	shalt  }
0x6a: {  	_ =	shalt  }
0x6b: {  	_ =	shalt  }
0x6c: {  	_ =	shalt  }
0x6d: {  	_ =	shalt  }
0x6e: {  	_ =	shalt  }
0x6f: {  	_ =	shalt  }
0x70: {  	_ =	shalt  }
0x71: {  	_ =	shalt  }
0x72: {  	_ =	shalt  }
0x73: {  	_ =	shalt  }
0x74: {  	_ =	shalt  }
0x75: {  	_ =	shalt  }
0x76: {  	_ =	shalt  }
0x77: {  	_ =	shalt  }
0x78: {  	_ =	shalt  }
0x79: {  	_ =	shalt  }
0x7a: {  	_ =	shalt  }
0x7b: {  	_ =	shalt  }
0x7c: {  	_ =	shalt  }
0x7d: {  	_ =	shalt  }
0x7e: {  	_ =	shalt  }
0x7f: {  	_ =	shalt  }
0x80: {  	_ =	shalt  }
0x81: {  	_ =	shalt  }
0x82: {  	_ =	shalt  }
0x83: {  	_ =	shalt  }
0x84: {  	_ =	shalt  }
0x85: {  	_ =	shalt  }
0x86: {  	_ =	shalt  }
0x87: {  	_ =	shalt  }
.Lfunc_end0:
.L_simem_size_0:
called_computation_lowered:
.L_overlay_start_0:
0x88: {  	s2 =	sld [smem:$0x3FD9]  }
0x89: {  	s3 =	sld [smem:$0x3FFE];
	_ =	sdelay $0x1  }
0x8a: {  	s1 =	srdreg.scid  }
0x8b: {  	s0 =	sand.u32 $0x1, s1  }
0x8c: {  	s14 =	sshll.u32 s0, $0xA;
	s2 =	sadd.s32 s3, s2  }
0x8d: {  	s2 =	sadd.s32 s2, s14  }
0x8e: {  	[smem:$0x3FC5] =	sst s2  }
0x8f: {  	_ = 	snop  }
0x90: {  	s2 =	sld [smem:$0x3FD0];
	_ =	sdelay $0x2  }
0x91: {  	s15 =	simm.s32 $0xA;
	s4 =	simm.s32 $0x10  }
0x92: {  	[smem:s4], [sflag:s15] =	dma.local [hbm:s2], $0x1  }
0x93: {  	_ =	swait.eq [sflag:s15], $0x1  }
0x94: {  	[sflag:s15] =	ssyncset.done $0x0  }
0x95: {  	[sflag:s15] =	ssyncadd.s32 $0xFFFFFFFF  }
0x96: {  	s16 =	sld [smem:$0x12];
	(tm) =	ssettm $0x1  }
0x97: {  	s17 =	sld [smem:$0x3FFB];
	_ =	sdelay $0x3  }
0x98: {  	_ =	strace s17  }
0x99: {  	s3 =	sld [smem:$0x3FFC];
	_ =	sdelay $0x3  }
0x9a: {  	_ =	strace s3  }
0x9b: {  	s3 =	sld [smem:$0x3FFD];
	_ =	sdelay $0x3  }
0x9c: {  	_ =	strace s3  }
0x9d: {  	_ =	strace $0x8FFFFFFF  }
0x9e: {  	s18 =	sld [smem:$0x3FDB];
	_ =	sdelay $0x1  }
0x9f: {  	s19 =	simm.s32 $_scs_section_size  }
0xa0: {  	s5 =	simm.s32 $_size__tile_overlayer_lowered;
	s6 =	simm.s32 $_tile_overlayer_lowered  }
0xa1: {  	s22 =	simm.s32 $0x1BFF;
	s21 =	sshll.u32 s6, $0x1;
	s3 =	sadd.s32 s19, s18  }
0xa2: {  	s7 =	simm.s32 $0x0;
	s20 =	sshll.u32 s5, $0x1;
	s5 =	sadd.s32 s21, s3  }
0xa3: {  	[timem:s7], [sflag:s22] =	dma.local [hbm:s5], s20  }
0xa4: {  	_ =	swait.ge [sflag:s22], s20  }
0xa5: {  	s4 =	ssub.s32 $0x0, s20;
	[sflag:s22] =	ssyncset.done $0x0  }
0xa6: {  	[sflag:s22] =	ssyncadd.s32 s4;
	_ =	sdelay $0x1  }
0xa7: {  	s23 =	simm.s32 $0x1B8B  }
0xa8: {  	_ =	swait.ge [sflag:s23], $0x1  }
0xa9: {  	[sflag:s23] =	ssyncset.done $0x0  }
0xaa: {  	s25 =	simm.s32 $0x1B8E;
	s24 =	sld [smem:$0x3FFE];
	[sflag:s23] =	ssyncadd.s32 $0xFFFFFFFF  }
0xab: {  	s26 =	simm.s32 $execute0_lowered;
	[smem:$0x3FD2] =	sst s25  }
0xac: {  	s5 =	sshll.u32 s26, $0x1;
	_ =	strace $0x80000046;
	[dreg:$0x1] =	wrdreg $0xFFFFFFFF  }
0xad: {  	s28 =	simm.s32 $_size_execute0_lowered;
	s3 =	sadd.s32 s3, s5;
	[dreg:$0x0] =	wrdreg $0x0  }
0xae: {  	s5 =	sshll.u32 s28, $0x1;
	[dreg:$0x2] =	wrdreg s3  }
0xaf: {  	[dreg:$0x3] =	wrdreg s5  }
0xb0: {  	[dreg:$0x4] =	wrdreg $0xC0  }
0xb1: {  	_ =	task [dreg:s7], $0x5FFFF  }
0xb2: {  	[dreg:$0x1] =	wrdreg $0xFFFFFFFF  }
0xb3: {  	[dreg:$0x0] =	wrdreg $0x60  }
0xb4: {  	[dreg:$0x2] =	wrdreg s16  }
0xb5: {  	[dreg:$0x3] =	wrdreg s24  }
0xb6: {  	[dreg:$0x4] =	wrdreg $0x9  }
0xb7: {  	_ =	task.clear_ibuf [dreg:s7], $0x5FFFF;
	_ =	strace $0x90000046  }
0xb8: {  	s29 =	simm.s32 $0x9;
	_ =	strace $0x80000048  }
0xb9: {  	_ =	swait.ge [sflag:s29], $0x1  }
0xba: {  	[sflag:s29] =	ssyncadd.s32 $0xFFFFFFFF  }
0xbb: {  	_ =	strace $0x90000048  }
0xbc: {  	_ =	sfence  }
0xbd: {  	s30 =	sld [smem:$0x0];
	_ =	sdelay $0x2  }
0xbe: {  	s31 =	sshll.u32 s1, $0xD;
	s1 =	sshrl.u32 s1, $0x2  }
0xbf: {  	s3 =	sand.u32 $0x4000, s31;
	s1 =	sadd.s32 s1, s30  }
0xc0: {  	s0 =	sor.u32 s3, s0;
	s1 =	sshll.u32 s1, $0x11  }
0xc1: {  	s0 =	sor.u32 s1, s0  }
0xc2: {  	s0 =	sadd.s32 $0x8F2B, s0  }
0xc3: {  	[sflag:s0] =	ssyncadd.remote.s32 $0x1  }
0xc4: {  	_ =	sfence.sel $0xFFFF  }
0xc5: {  	[dreg:$0x0] =	wrdreg $0xFFFFFFFF;
	(pc) =	sbr.abs _section_cstart, $3  }
0xc6: {  	[dreg:$0x1] =	wrdreg $0xFFFFFFFF  }
0xc7: {  	_ =	task.clear_ibuf [dreg:s7], $0x2FFFF;
	_ =	strace $0x9FFFFFFF  }
0xc8: {  	(tm) =	ssettm $0x7FFFFFFF  }
0xc9: {  	_ =	shalt  }
tec
execute0_lowered:
.L_overlay_start_1:
0x0: {  	(tag) =	ssettag $0x1  }
0x1: {  	s1 =	srdreg.scid;
	s0 =	stileid.u32  }
0x2: {  	s3 =	sand.u32 $0x1, s1;
	s29 =	sshll.u32 s0, $0x1  }
0x3: {  	v0 =	vlaneseq.u32;
	s2 =	sshll.u32 s3, $0x5;
	s1 =	sand.u32 $0x1C, s29  }
0x4: {  	v2 =	vimm.f32 $-3.000000000e+00;
	vm0 =	vcmask $0xF00;
	v1 =	vshrl.u32 v0, $0x2;
	s4 =	sor.u32 s2, s1  }
0x5: {  	vm1 =	vcmask $0x1F10;
	v2 =	vsel vm0, $0x80000000, v2;
	v1 =	vor.u32 s4, v1  }
0x6: {  	vm4 =	vcmask $0x2F20;
	v2 =	vsel vm1, $0xBF800000, v2;
	v1 =	vcvt.s32.f32 v1  }
0x7: {  	v4 =	vimm.s32 $0x20181008;
	v2 =	vsel vm4, $0xC0000000, v2  }
0x8: {  	v3 =	vadd.f32 $5.000000000e-01, v1;
	v1 =	vadd.f32 v2, v1;
	v2 =	vunpack.c.0.s8.s32 v4  }
0x9: {  	s5 =	rddreg [dreg:$0x0];
	vm5 =	vcmask $0x1310  }
0xa: {  	s6 =	rddreg [dreg:$0x1];
	vm6 =	vcmask $0x1714;
	v4 =	vadd.f32 $3.500000000e+00, v1;
	v2 =	vnsel vm0, $0x620, v2  }
0xb: {  	vm7 =	vcmask $0x1B18;
	vm8 =	vcmask $0x1F1C;
	s9 =	simm.s32 $0x1780;
	s10 =	simm.s32 $0x1800;
	s11 =	simm.s32 $0x1880;
	v2 =	vsel vm5, $0x208, v2  }
0xc: {  	s12 =	simm.s32 $0x1900;
	s13 =	simm.s32 $0x1980;
	s14 =	simm.s32 $0x2180;
	v1 =	vadd.f32 $5.000000000e-01, v1;
	v4 =	vmul.f32 $3.125000000e-02, v4;
	v2 =	vsel vm6, $0x210, v2  }
0xd: {  	vm9 =	vcmask $0x2320;
	vm10 =	vcmask $0x2724;
	s15 =	simm.s32 $0x2980;
	s16 =	simm.s32 $0x3180;
	s17 =	simm.s32 $0xB180;
	v2 =	vsel vm7, $0x218, v2  }
0xe: {  	s18 =	simm.s32 $0x13180;
	s19 =	simm.s32 $0x2;
	s20 =	simm.s32 $0x3;
	v1 =	vmul.f32 $3.125000000e-02, v1;
	v4 =	vsub.f32 $1.000000000e+00, v4;
	v2 =	vsel vm8, $0x220, v2  }
0xf: {  	vm11 =	vcmask $0x2B28;
	vm12 =	vcmask $0x2F2C;
	s21 =	simm.s32 $0x4;
	s22 =	simm.s32 $0x0;
	s7 =	sand.u32 $0x1, s0;
	v2 =	vsel vm9, $0x408, v2  }
0x10: {  	s8 =	sshll.u32 s7, $0x10;
	s3 =	ssub.s32 $0x2, s3;
	s7 =	smul.u32 $0x2EE, s7;
	v5 =	vsub.f32 $1.000000000e+00, v1;
	v1 =	vadd.f32 $-5.099999900e-02, v4;
	v4 =	vsel vm10, $0x410, v2  }
0x11: {  	vm13 =	vcmask $0x3330;
	vm14 =	vcmask $0x3734;
	s1 =	rddreg [dreg:$0x2];
	s2 =	simm.s32 $0x0;
	s30 =	sshrl.u32 s3, $0x1;
	v4 =	vsel vm11, $0x418, v4  }
0x12: {  	[smem:$0x7FF] =	sst s2;
	s4 =	sshll.u32 s4, $0xA;
	s31 =	ssub.s32 s3, s30;
	v3 =	vmul.f32 $3.125000000e-02, v3;
	v2 =	vadd.f32 $5.099999900e-02, v5;
	v5 =	vsel vm12, $0x420, v4  }
0x13: {  	vm15 =	vcmask $0x3B38;
	v6 =	vand.u32 $0x3, v0;
	s3 =	sadd.s32 s5, s7;
	s4 =	sor.u32 s8, s4;
	_ =	strace $0x80000047;
	v5 =	vsel vm13, $0x608, v5  }
0x14: {  	v6 =	vadd.s32 $0x1, v6;
	s7 =	smax.u32 s31, $0x1;
	s8 =	simm.s32 $0x1;
	s6 =	sadd.s32 s4, s6;
	v3 =	vsub.f32 $1.000000000e+00, v3;
	v7 =	vsel vm14, $0x610, v5  }
0x15: {  	s4 =	sadd.s32 $0xE00, s6;
	s5 =	sadd.s32 $0x20E00, s6;
	s6 =	sadd.s32 $0x40E00, s6;
	v4 =	vimm.f32 $+Inf;
	v5 =	vimm.s32 $0x0;
	v7 =	vsel vm15, $0x618, v7  }
.LBB2_1:
0x16: {  	[tilespmem:s2], [sflag:$0x1] =	stream.linear.gather [hbm4b:s3+s2], $0x1770, $0x38;
	[tilespmem:$0x1B180] =	vst v63  }
0x17: {  	s23 =	simm.s32 $0x40;
	s24 =	simm.s32 $0x0  }
.LBB2_2:
0x18: {  	p0 =	sne.s32 s23, $0x1FC0;
	[tilespmem:s24+$0x1980] =	vst v4;
	s24 =	smov.u32 s23;
	s23 =	sadd.s32 $0x40, s23  }
.Ltmp0:
0x19: {  	(pc) =	sbr.rel @p0 .LBB2_2-.Ltmp0, $2  }
0x1a: {  	_ =	sdelay $0x2  }
0x1b: {  	s24 =	sshra.s32 s24, $0x2  }
.Ltmp1:
0x1c: {  	(pc) =	sbr.rel .LBB2_4-.Ltmp1, $4  }
0x1d: {  	[tilespmem:s24+$0x1980] =	vst v4  }
0x1e: {  	_ =	swait.ge [sflag:s8], $0x1770  }
0x1f: {  	[sflag:s8] =	ssyncset.done $0x0  }
0x20: {  	s23 =	simm.s32 $0x0;
	[sflag:s8] =	ssyncadd.s32 $0xFFFFE890  }
.LBB2_9:
0x21: {  	s23 =	sadd.s32 $0x1, s23  }
0x22: {  	p0 =	sne.s32 s23, $0x7D  }
.Ltmp2:
0x23: {  	_ = 	snop;
	(pc) =	sbr.rel @!p0 .LBB2_10-.Ltmp2, $1  }
0x24: {  	_ =	sdelay $0x3  }
.LBB2_4:
0x25: {  	s25 =	sshll.u32 s23, $0x4  }
0x26: {  	v8 =	vld [tilespmem:s25+$0xFA0];
	_ =	sdelay $0x4  }
0x27: {  	v9 =	vld [tilespmem:s25+$0x7D0];
	v10 =	vand.u32 $0x7FFFFFFF, v8  }
0x28: {  	vm0 =	vlt.f32 v10, $9.999999740e-05  }
0x29: {  	v10 =	vld [tilespmem:s25+$0x0];
	v11 =	vsel vm0, $0x38D1B717, v8  }
0x2a: {  	v12 =	vmul.f32 v11, v1  }
0x2b: {  	v13 =	vmul.f32 v11, v2  }
0x2c: {  	vm0 =	vgt.f32 v8, $0.0e+00;
	v61 =	vmul.f32 $-1.035375000e+00, v11;
	vm1 =	vgt.f32 v9, v12  }
0x2d: {  	v62 =	vmul.f32 $1.035375000e+00, v11;
	vm0 =	vmand vm0, vm1;
	vm1 =	vlt.f32 v9, v13  }
0x2e: {  	vm0 =	vmand vm1, vm0;
	vm1 =	vgt.f32 v10, v61  }
0x2f: {  	vm0 =	vmand vm1, vm0;
	vm1 =	vlt.f32 v10, v62  }
0x30: {  	vm0 =	vmand vm1, vm0  }
0x31: {  	v63 =	vmpcnt.ones.xlane vm0;
	_ =	sdelay $0x1  }
0x32: {  	(v2sf) =	vpush v63, $0x0;
	_ =	sdelay $0xe  }
0x33: {  	s24 =	spop (v2sf)  }
0x34: {  	p0 =	slt.s32 s24, $0x1  }
.Ltmp3:
0x35: {  	_ = 	snop;
	(pc) =	sbr.rel @p0 .LBB2_9-.Ltmp3, $1  }
0x36: {  	_ =	sdelay $0x3  }
0x37: {  	(erf) = vrcp.f32 v11;
	_ =	sdelay $0x8  }
0x38: {  	v11 =	vpop (erf)  }
0x39: {  	v10 =	vmul.f32 v11, v10  }
.Ltmp4:
0x3a: {  	v9 =	vmul.f32 v11, v9;
	(pc) =	sbr.rel .LBB2_6-.Ltmp4, $4  }
0x3b: {  	[tilespmem:s9+$0x0] =	vst.msk vm0, v10  }
0x3c: {  	[tilespmem:s10+$0x0] =	vst.msk vm0, v9  }
0x3d: {  	[tilespmem:s11+$0x0] =	vst.msk vm0, v8;
	v8 =	vor.u32 s25, v0  }
0x3e: {  	s25 =	simm.s32 $0x0;
	[tilespmem:s12+$0x0] =	vst.msk vm0, v8  }
.LBB2_8:
0x3f: {  	s25 =	sadd.s32 $0x1, s25  }
0x40: {  	p0 =	sne.s32 s24, s25  }
.Ltmp5:
0x41: {  	_ = 	snop;
	(pc) =	sbr.rel @!p0 .LBB2_9-.Ltmp5, $1  }
0x42: {  	_ =	sdelay $0x3  }
.LBB2_6:
0x43: {  	v9 =	vmov s25;
	_ =	sdelay $0x4  }
0x44: {  	v8 =	vld.idx.msk [tilespmem:v9+s9+$0x0], $0xffff;
	_ =	sdelay $0x4  }
0x45: {  	v10 =	vsub.f32 $1.000000000e+00, v8;
	_ =	sdelay $0x1  }
0x46: {  	v10 =	vadd.f32 $-5.000000070e-02, v10;
	_ =	sdelay $0x1  }
0x47: {  	v10 =	vmul.f32 $3.200000000e+01, v10;
	_ =	sdelay $0x1  }
0x48: {  	v10 =	vadd.f32 $-5.000000000e-01, v10;
	_ =	sdelay $0x1  }
0x49: {  	v10 =	vadd.f32 $-1.000000050e-03, v10;
	_ =	sdelay $0x1  }
0x4a: {  	v11 =	vtrunc.f32 v10  }
0x4b: {  	v12 =	vcvt.f32.s32 v11;
	vm0 =	vlt.f32 v10, v11  }
0x4c: {  	v10 =	vsel vm0, $0xFFFFFFFF, v5  }
0x4d: {  	v10 =	vadd.s32 v12, v10  }
0x4e: {  	v11 =	vadd.s32 v6, v10  }
0x4f: {  	v62 =	vcvt.s32.f32 v11;
	_ =	sdelay $0x1  }
0x50: {  	v12 =	vadd.f32 $5.000000000e-01, v62  }
0x51: {  	v13 =	vld.idx.msk [tilespmem:v9+s10+$0x0], $0xffff  }
0x52: {  	v12 =	vmul.f32 $-3.125000000e-02, v12;
	_ =	sdelay $0x1  }
0x53: {  	v12 =	vadd.f32 $1.000000000e+00, v12;
	_ =	sdelay $0x1  }
0x54: {  	v63 =	vsub.f32 v3, v13;
	v8 =	vsub.f32 v12, v8;
	_ =	sdelay $0x1  }
0x55: {  	v12 =	vmul.f32 v63, v63;
	v8 =	vmul.f32 v8, v8;
	_ =	sdelay $0x1  }
0x56: {  	v8 =	vadd.f32 v8, v12;
	_ =	sdelay $0x1  }
0x57: {  	vm1 =	vlt.u32 v11, $0x40;
	vm0 =	vlt.f32 v8, $2.499999940e-03  }
0x58: {  	vm0 =	vmand vm1, vm0  }
0x59: {  	v11 =	vmpcnt.ones.xlane vm0;
	_ =	sdelay $0x1  }
0x5a: {  	(v2sf) =	vpush v11, $0x0;
	_ =	sdelay $0xe  }
0x5b: {  	s26 =	spop (v2sf)  }
0x5c: {  	p0 =	slt.s32 s26, $0x1  }
.Ltmp6:
0x5d: {  	_ = 	snop;
	(pc) =	sbr.rel @p0 .LBB2_8-.Ltmp6, $3  }
0x5e: {  	_ =	sdelay $0x1  }
0x5f: {  	v11 =	vld.idx.msk [tilespmem:v9+s11+$0x0], $0xffff  }
0x60: {  	v9 =	vld.idx.msk [tilespmem:v9+s12+$0x0], $0xffff  }
0x61: {  	v10 =	vshll.u32 v10, $0x3  }
0x62: {  	v10 =	vadd.s32 v7, v10  }
0x63: {  	v10 =	vnsel vm0, $0x0, v10;
	_ =	sdelay $0x4  }
0x64: {  	v12 =	vld.idx.msk [tilespmem:v10+s13+$0x0], $0xffff;
	_ =	sdelay $0x1  }
0x65: {  	v13 =	vld.idx.msk [tilespmem:v10+s14+$0x0], $0xffff  }
0x66: {  	v14 =	vld.idx.msk [tilespmem:v10+s15+$0x0], $0xffff;
	_ =	sdelay $0x1  }
0x67: {  	v15 =	vor.u32 $0x1, v10;
	vm1 =	vlt.f32 v11, v12  }
0x68: {  	v16 =	vsel vm1, v11, v12  }
0x69: {  	v17 =	vsel vm1, v9, v13;
	[tilespmem:v10+s13+$0x0] =	vst.idx.msk vm0, v16  }
0x6a: {  	v40 =	vsel vm1, v8, v14;
	[tilespmem:v10+s14+$0x0] =	vst.idx.msk vm0, v17  }
0x6b: {  	[tilespmem:v10+s15+$0x0] =	vst.idx.msk vm0, v40  }
0x6c: {  	v16 =	vld.idx.msk [tilespmem:v15+s13+$0x0], $0xffff;
	_ =	sdelay $0x1  }
0x6d: {  	v17 =	vld.idx.msk [tilespmem:v15+s14+$0x0], $0xffff  }
0x6e: {  	v18 =	vld.idx.msk [tilespmem:v15+s15+$0x0], $0xffff  }
0x6f: {  	v41 =	vsel vm1, v12, v11  }
0x70: {  	v42 =	vor.u32 $0x2, v10;
	vm2 =	vlt.f32 v41, v16  }
0x71: {  	v43 =	vsel vm1, v13, v9;
	v44 =	vsel vm2, v41, v16  }
0x72: {  	v8 =	vsel vm1, v14, v8;
	v45 =	vsel vm2, v43, v17;
	[tilespmem:v15+s13+$0x0] =	vst.idx.msk vm0, v44  }
0x73: {  	v46 =	vsel vm2, v8, v18;
	[tilespmem:v15+s14+$0x0] =	vst.idx.msk vm0, v45  }
0x74: {  	[tilespmem:v15+s15+$0x0] =	vst.idx.msk vm0, v46  }
0x75: {  	v13 =	vld.idx.msk [tilespmem:v42+s13+$0x0], $0xffff;
	_ =	sdelay $0x1  }
0x76: {  	v14 =	vld.idx.msk [tilespmem:v42+s14+$0x0], $0xffff  }
0x77: {  	v15 =	vld.idx.msk [tilespmem:v42+s15+$0x0], $0xffff  }
0x78: {  	v11 =	vsel vm2, v16, v41  }
0x79: {  	v47 =	vor.u32 $0x3, v10;
	vm10 =	vlt.f32 v11, v13  }
0x7a: {  	v9 =	vsel vm2, v17, v43;
	v48 =	vsel vm10, v11, v13  }
0x7b: {  	v8 =	vsel vm2, v18, v8;
	v49 =	vsel vm10, v9, v14;
	[tilespmem:v42+s13+$0x0] =	vst.idx.msk vm0, v48  }
0x7c: {  	v50 =	vsel vm10, v8, v15;
	[tilespmem:v42+s14+$0x0] =	vst.idx.msk vm0, v49  }
0x7d: {  	[tilespmem:v42+s15+$0x0] =	vst.idx.msk vm0, v50  }
0x7e: {  	v12 =	vld.idx.msk [tilespmem:v47+s13+$0x0], $0xffff;
	_ =	sdelay $0x1  }
0x7f: {  	v17 =	vld.idx.msk [tilespmem:v47+s14+$0x0], $0xffff  }
0x80: {  	v18 =	vld.idx.msk [tilespmem:v47+s15+$0x0], $0xffff  }
0x81: {  	v11 =	vsel vm10, v13, v11  }
0x82: {  	v51 =	vor.u32 $0x4, v10;
	vm11 =	vlt.f32 v11, v12  }
0x83: {  	v9 =	vsel vm10, v14, v9;
	v52 =	vsel vm11, v11, v12  }
0x84: {  	v8 =	vsel vm10, v15, v8;
	v53 =	vsel vm11, v9, v17;
	[tilespmem:v47+s13+$0x0] =	vst.idx.msk vm0, v52  }
0x85: {  	v54 =	vsel vm11, v8, v18;
	[tilespmem:v47+s14+$0x0] =	vst.idx.msk vm0, v53  }
0x86: {  	[tilespmem:v47+s15+$0x0] =	vst.idx.msk vm0, v54  }
0x87: {  	v14 =	vld.idx.msk [tilespmem:v51+s13+$0x0], $0xffff;
	_ =	sdelay $0x1  }
0x88: {  	v15 =	vld.idx.msk [tilespmem:v51+s14+$0x0], $0xffff  }
0x89: {  	v16 =	vld.idx.msk [tilespmem:v51+s15+$0x0], $0xffff  }
0x8a: {  	v11 =	vsel vm11, v12, v11  }
0x8b: {  	v55 =	vor.u32 $0x5, v10;
	vm12 =	vlt.f32 v11, v14  }
0x8c: {  	v9 =	vsel vm11, v17, v9;
	v56 =	vsel vm12, v11, v14  }
0x8d: {  	v8 =	vsel vm11, v18, v8;
	v57 =	vsel vm12, v9, v15;
	[tilespmem:v51+s13+$0x0] =	vst.idx.msk vm0, v56  }
0x8e: {  	v58 =	vsel vm12, v8, v16;
	[tilespmem:v51+s14+$0x0] =	vst.idx.msk vm0, v57  }
0x8f: {  	[tilespmem:v51+s15+$0x0] =	vst.idx.msk vm0, v58  }
0x90: {  	v13 =	vld.idx.msk [tilespmem:v55+s13+$0x0], $0xffff;
	_ =	sdelay $0x1  }
0x91: {  	v17 =	vld.idx.msk [tilespmem:v55+s14+$0x0], $0xffff  }
0x92: {  	v18 =	vld.idx.msk [tilespmem:v55+s15+$0x0], $0xffff  }
0x93: {  	v11 =	vsel vm12, v14, v11  }
0x94: {  	v59 =	vor.u32 $0x6, v10;
	vm13 =	vlt.f32 v11, v13  }
0x95: {  	v9 =	vsel vm12, v15, v9;
	v60 =	vsel vm13, v11, v13  }
0x96: {  	v8 =	vsel vm12, v16, v8;
	v61 =	vsel vm13, v9, v17;
	[tilespmem:v55+s13+$0x0] =	vst.idx.msk vm0, v60  }
0x97: {  	v62 =	vsel vm13, v8, v18;
	[tilespmem:v55+s14+$0x0] =	vst.idx.msk vm0, v61  }
0x98: {  	[tilespmem:v55+s15+$0x0] =	vst.idx.msk vm0, v62  }
0x99: {  	v12 =	vld.idx.msk [tilespmem:v59+s13+$0x0], $0xffff;
	_ =	sdelay $0x1  }
0x9a: {  	v15 =	vld.idx.msk [tilespmem:v59+s14+$0x0], $0xffff  }
0x9b: {  	v16 =	vld.idx.msk [tilespmem:v59+s15+$0x0], $0xffff  }
0x9c: {  	v11 =	vsel vm13, v13, v11  }
0x9d: {  	v10 =	vor.u32 $0x7, v10;
	vm14 =	vlt.f32 v11, v12  }
0x9e: {  	v9 =	vsel vm13, v17, v9;
	v13 =	vsel vm14, v11, v12  }
0x9f: {  	v8 =	vsel vm13, v18, v8;
	v17 =	vsel vm14, v9, v15;
	[tilespmem:v59+s13+$0x0] =	vst.idx.msk vm0, v13  }
0xa0: {  	v63 =	vsel vm14, v8, v16;
	[tilespmem:v59+s14+$0x0] =	vst.idx.msk vm0, v17  }
0xa1: {  	[tilespmem:v59+s15+$0x0] =	vst.idx.msk vm0, v63  }
0xa2: {  	v13 =	vld.idx.msk [tilespmem:v10+s13+$0x0], $0xffff;
	_ =	sdelay $0x1  }
0xa3: {  	v14 =	vld.idx.msk [tilespmem:v10+s14+$0x0], $0xffff  }
0xa4: {  	v17 =	vld.idx.msk [tilespmem:v10+s15+$0x0], $0xffff  }
0xa5: {  	v11 =	vsel vm14, v12, v11  }
.Ltmp7:
0xa6: {  	vm15 =	vlt.f32 v11, v13;
	(pc) =	sbr.rel .LBB2_8-.Ltmp7, $4  }
0xa7: {  	v9 =	vsel vm14, v15, v9;
	v11 =	vsel vm15, v11, v13  }
0xa8: {  	v8 =	vsel vm14, v16, v8;
	v9 =	vsel vm15, v9, v14;
	[tilespmem:v10+s13+$0x0] =	vst.idx.msk vm0, v11  }
0xa9: {  	v8 =	vsel vm15, v8, v17;
	[tilespmem:v10+s14+$0x0] =	vst.idx.msk vm0, v9  }
0xaa: {  	[tilespmem:v10+s15+$0x0] =	vst.idx.msk vm0, v8  }
.LBB2_10:
0xab: {  	s23 =	simm.s32 $0x0  }
0xac: {  	v8 =	vmul.u32 $0x10, v0;
	v9 =	vmov s23  }
0xad: {  	v9 =	vshll.u32 v9, $0x4  }
0xae: {  	s23 =	simm.s32 $0x1980;
	v10 =	vor.u32 v8, v9  }
0xaf: {  	v11 =	vld [tilespmem:s23+$0x0];
	v9 =	vand.u32 $0x6000, v9;
	v10 =	vand.u32 $0x1F80, v10  }
0xb0: {  	v10 =	vor.u32 v10, v9;
	v9 =	vand.u32 $0x7, v0  }
0xb1: {  	v10 =	vor.u32 v9, v10;
	_ =	sdelay $0x2  }
0xb2: {  	vm0 =	vge.f32 v11, $3.000000010e+38  }
0xb3: {  	v11 =	vsel vm0, $0xBF800000, v11  }
0xb4: {  	s24 =	simm.s32 $0x2180;
	[tilespmem:v10+s16+$0x0] =	vst.idx.msk $0xffff, v11  }
0xb5: {  	v11 =	vld [tilespmem:s24+$0x0];
	_ =	sdelay $0x4  }
0xb6: {  	v11 =	vsel vm0, $0xFFFFFFFF, v11  }
0xb7: {  	s25 =	simm.s32 $0x2980;
	[tilespmem:v10+s17+$0x0] =	vst.idx.msk $0xffff, v11  }
0xb8: {  	v12 =	vld [tilespmem:s25+$0x0];
	_ =	sdelay $0x2  }
0xb9: {  	s31 =	simm.s32 $0x10  }
0xba: {  	v11 =	vmov s31  }
0xbb: {  	s26 =	simm.s32 $0x20;
	v11 =	vshll.u32 v11, $0x4;
	s25 =	simm.s32 $0x2990;
	v12 =	vsel vm0, $0xBF800000, v12  }
.LBB2_11:
0xbc: {  	s23 =	sadd.s32 $0x10, s23  }
0xbd: {  	v13 =	vor.u32 v8, v11;
	[tilespmem:v10+s18+$0x0] =	vst.idx.msk $0xffff, v12;
	s24 =	sadd.s32 $0x10, s24;
	s28 =	smov.u32 s26;
	s29 =	sadd.s32 $0x10, s26  }
0xbe: {  	p0 =	sne.s32 s26, $0x7F0;
	v10 =	vand.u32 $0x6000, v11;
	v12 =	vld [tilespmem:s23+$0x0];
	v11 =	vand.u32 $0x1F80, v13  }
0xbf: {  	v10 =	vor.u32 v11, v10  }
0xc0: {  	v10 =	vor.u32 v9, v10;
	_ =	sdelay $0x2  }
0xc1: {  	vm0 =	vge.f32 v12, $3.000000010e+38  }
0xc2: {  	v11 =	vsel vm0, $0xBF800000, v12  }
0xc3: {  	[tilespmem:v10+s16+$0x0] =	vst.idx.msk $0xffff, v11  }
0xc4: {  	v11 =	vld [tilespmem:s24+$0x0];
	_ =	sdelay $0x4  }
0xc5: {  	v11 =	vsel vm0, $0xFFFFFFFF, v11  }
0xc6: {  	[tilespmem:v10+s17+$0x0] =	vst.idx.msk $0xffff, v11  }
0xc7: {  	v12 =	vld [tilespmem:s25+$0x0]  }
.Ltmp8:
0xc8: {  	(pc) =	sbr.rel @p0 .LBB2_11-.Ltmp8, $3  }
0xc9: {  	_ =	sdelay $0x1  }
0xca: {  	v11 =	vmov s28  }
0xcb: {  	s26 =	smov.u32 s29;
	v11 =	vshll.u32 v11, $0x4;
	s25 =	sadd.s32 $0x10, s25;
	v12 =	vsel vm0, $0xBF800000, v12  }
0xcc: {  	_ =	sdelay $0x3  }
0xcd: {  	v8 =	vor.u32 v8, v11;
	[tilespmem:v10+s18+$0x0] =	vst.idx.msk $0xffff, v12;
	s23 =	sadd.s32 $0x10, s23  }
0xce: {  	v62 =	vand.u32 $0x6000, v11;
	v10 =	vld [tilespmem:s23+$0x0];
	v8 =	vand.u32 $0x1F80, v8  }
0xcf: {  	v8 =	vor.u32 v8, v62  }
0xd0: {  	v8 =	vor.u32 v9, v8;
	_ =	sdelay $0x2  }
0xd1: {  	vm0 =	vge.f32 v10, $3.000000010e+38  }
0xd2: {  	v63 =	vsel vm0, $0xBF800000, v10  }
0xd3: {  	s31 =	sadd.s32 $0x10, s24;
	[tilespmem:v8+s16+$0x0] =	vst.idx.msk $0xffff, v63  }
0xd4: {  	v9 =	vld [tilespmem:s31+$0x0];
	_ =	sdelay $0x4  }
0xd5: {  	v9 =	vsel vm0, $0xFFFFFFFF, v9  }
0xd6: {  	[tilespmem:v8+s17+$0x0] =	vst.idx.msk $0xffff, v9  }
0xd7: {  	v9 =	vld [tilespmem:s25+$0x0];
	_ =	sdelay $0x4  }
0xd8: {  	v9 =	vsel vm0, $0xBF800000, v9  }
0xd9: {  	[tilespmem:v8+s18+$0x0] =	vst.idx.msk $0xffff, v9  }
0xda: {  	[hbm4b:s4+s2] =	stream.linear.scatter [tilespmem:s17], [sflag:$0x2], $0x8000, $0x38;
	[tilespmem:$0x1B180] =	vst v63  }
0xdb: {  	_ = 	snop  }
0xdc: {  	[hbm4b:s5+s2] =	stream.linear.scatter [tilespmem:s16], [sflag:$0x3], $0x8000, $0x38;
	[tilespmem:$0x1B180] =	vst v63  }
0xdd: {  	_ = 	snop  }
0xde: {  	[hbm4b:s6+s2] =	stream.linear.scatter [tilespmem:s18], [sflag:$0x4], $0x8000, $0x38;
	[tilespmem:$0x1B180] =	vst v63  }
0xdf: {  	_ =	swait.ge [sflag:s19], $0x8000  }
0xe0: {  	[sflag:s19] =	ssyncset.done $0x0  }
0xe1: {  	s22 =	sadd.s32 $0x1, s22;
	[sflag:s19] =	ssyncadd.s32 $0xFFFF8000  }
0xe2: {  	p0 =	sne.s32 s22, s7;
	_ =	swait.ge [sflag:s20], $0x8000  }
.Ltmp9:
0xe3: {  	[sflag:s20] =	ssyncset.done $0x0;
	(pc) =	sbr.rel @p0 .LBB2_1-.Ltmp9, $4  }
0xe4: {  	[sflag:s20] =	ssyncadd.s32 $0xFFFF8000  }
0xe5: {  	_ =	swait.ge [sflag:s21], $0x8000  }
0xe6: {  	[sflag:s21] =	ssyncset.done $0x0  }
0xe7: {  	[sflag:s21] =	ssyncadd.s32 $0xFFFF8000  }
0xe8: {  	_ =	sfence.sel $0x180000  }
0xe9: {  	[bflag:$0x0] =	sbarrier.arrive $0xFFFF  }
0xea: {  	p0 =	sne.s32 s0, $0x0;
	_ =	strace $0x90000047  }
0xeb: {  	s0 =	sadd.s32 @!p0 $0x100000, s1;
	[bflag:$0x2] =	sbarrier.arrive $0xFFFF  }
0xec: {  	[sflag:s0] =	ssyncadd.tile.s32 @!p0 $0x1;
	_ =	shalt  }
.Lfunc_end2:
_tile_overlayer_lowered:
.L_overlay_start_2:
0xed: {  	(tag) =	ssettag $0x2  }
0xee: {  	s0 =	rddreg [dreg:$0x0];
	s2 =	stileid.u32  }
0xef: {  	s1 =	rddreg [dreg:$0x1];
	p0 =	sne.s32 s2, $0x0  }
0xf0: {  	s3 =	rddreg [dreg:$0x2];
	[bflag:$0x3] =	sbarrier.arrive $0xFFFF;
	s2 =	simm.s32 @!p0 $0x1C05  }
0xf1: {  	[timem:s3], [sflag:s2] =	dma.local @!p0 [hbm:s0], s1  }
0xf2: {  	s0 =	simm.s32 @!p0 $0x5  }
0xf3: {  	_ =	swait.ge @!p0 [sflag:s0], s1  }
0xf4: {  	s1 =	ssub.s32 @!p0 $0x0, s1;
	[sflag:s0] =	ssyncset.done @!p0 $0x0  }
0xf5: {  	[sflag:s0] =	ssyncadd.s32 @!p0 s1  }
0xf6: {  	[bflag:$0x3] =	sbarrier.arrive $0xFFFF  }
0xf7: {  	_ =	shalt  }

</sc_bundles>
